<compile_context>
chip_gen: v7x
topology: tpu7x:2x2x1
jax: 0.10.2.dev20260603
libtpu: 0.0.44.dev20260713+nightly
codegen_flags: <defaults>
</compile_context>

<pallas_src>
import functools

import jax
import jax.numpy as jnp
from jax.experimental import pallas as pl
from jax.experimental.pallas import tpu as pltpu

_G = 2
_K = 320
_D = 256
_DG = _D // _G
_NB = 1024

_IDX_MASK = 0x1FF
_INT_MAX = 0x7FFFFFFF


def _split3(c):
    hi = c.astype(jnp.bfloat16)
    r1 = c - hi.astype(jnp.float32)
    mid = r1.astype(jnp.bfloat16)
    lo = (r1 - mid.astype(jnp.float32)).astype(jnp.bfloat16)
    return hi, mid, lo


def _vq_body(x_ref, ctm2_ref, c_ref, dist_ref, enc_ref, quant_ref, ppl_ref,
             counts_ref):
    i = pl.program_id(0)
    nsteps = pl.num_programs(0)

    @pl.when(i == 0)
    def _init():
        counts_ref[...] = jnp.zeros_like(counts_ref)

    x = x_ref[...]
    iota = jax.lax.broadcasted_iota(jnp.int32, (_NB, _K), 1)
    for g in range(_G):
        xg = x[:, g * _DG:(g + 1) * _DG]
        cg = c_ref[g]
        c2 = jnp.sum(cg * cg, axis=1)
        ctg = ctm2_ref[g]
        xh = xg.astype(jnp.bfloat16)
        xl = (xg - xh.astype(jnp.float32)).astype(jnp.bfloat16)
        ch = ctg.astype(jnp.bfloat16)
        cl = (ctg - ch.astype(jnp.float32)).astype(jnp.bfloat16)
        dims = (((1,), (0,)), ((), ()))
        prod = (jax.lax.dot_general(xh, ch, dims,
                                    preferred_element_type=jnp.float32)
                + jax.lax.dot_general(xh, cl, dims,
                                      preferred_element_type=jnp.float32)
                + jax.lax.dot_general(xl, ch, dims,
                                      preferred_element_type=jnp.float32))
        x2 = jnp.sum(xg * xg, axis=1, keepdims=True)
        dist = (x2 + c2[None, :]) + prod
        dist_ref[g] = dist

        bits = jax.lax.bitcast_convert_type(dist, jnp.int32)
        key = jax.lax.bitwise_or(
            jax.lax.bitwise_and(bits, jnp.int32(~_IDX_MASK)), iota)
        k1 = jnp.min(key, axis=1, keepdims=True)
        i1 = jax.lax.bitwise_and(k1, jnp.int32(_IDX_MASK))
        keym = jnp.where(key == k1, jnp.int32(_INT_MAX), key)
        k2 = jnp.min(keym, axis=1, keepdims=True)
        i2 = jax.lax.bitwise_and(k2, jnp.int32(_IDX_MASK))

        e1 = (iota == i1).astype(jnp.bfloat16)
        e2 = (iota == i2).astype(jnp.bfloat16)
        hi, mid, lo = _split3(cg)

        def _sel(e):
            return (jax.lax.dot_general(e, hi, dims,
                                        preferred_element_type=jnp.float32)
                    + jax.lax.dot_general(e, mid, dims,
                                          preferred_element_type=jnp.float32)
                    + jax.lax.dot_general(e, lo, dims,
                                          preferred_element_type=jnp.float32))

        c1 = _sel(e1)
        c2v = _sel(e2)
        d1 = jnp.sum((xg - c1) ** 2, axis=1, keepdims=True)
        d2 = jnp.sum((xg - c2v) ** 2, axis=1, keepdims=True)
        take1 = (d1 < d2) | ((d1 == d2) & (i1 < i2))

        enc = jnp.where(take1, e1, e2).astype(jnp.float32)
        enc_ref[g] = enc
        quant_ref[:, g * _DG:(g + 1) * _DG] = jnp.where(take1, c1, c2v)
        counts_ref[pl.ds(g, 1), :] += jnp.sum(enc, axis=0, keepdims=True)

    @pl.when(i == nsteps - 1)
    def _fin():
        avg = counts_ref[...] / jnp.float32(nsteps * _NB)
        ent = -jnp.sum(avg * jnp.log(avg + 1e-10), axis=1, keepdims=True)
        ppl_ref[...] = jnp.mean(jnp.exp(ent)).reshape(1, 1)


@jax.jit
def kernel(hidden_states, codevectors):
    B, T, D = hidden_states.shape
    N = B * T
    x = hidden_states.reshape(N, D)
    ctm2 = jnp.transpose(-2.0 * codevectors, (0, 2, 1))
    grid = (N // _NB,)
    dist, enc, quant, ppl = pl.pallas_call(
        _vq_body,
        grid=grid,
        in_specs=[
            pl.BlockSpec((_NB, _D), lambda i: (i, 0)),
            pl.BlockSpec((_G, _DG, _K), lambda i: (0, 0, 0)),
            pl.BlockSpec((_G, _K, _DG), lambda i: (0, 0, 0)),
        ],
        out_specs=[
            pl.BlockSpec((_G, _NB, _K), lambda i: (0, i, 0)),
            pl.BlockSpec((_G, _NB, _K), lambda i: (0, i, 0)),
            pl.BlockSpec((_NB, _D), lambda i: (i, 0)),
            pl.BlockSpec((1, 1), lambda i: (0, 0)),
        ],
        out_shape=[
            jax.ShapeDtypeStruct((_G, N, _K), jnp.float32),
            jax.ShapeDtypeStruct((_G, N, _K), jnp.float32),
            jax.ShapeDtypeStruct((N, _D), jnp.float32),
            jax.ShapeDtypeStruct((1, 1), jnp.float32),
        ],
        scratch_shapes=[pltpu.VMEM((_G, _K), jnp.float32)],
    )(x, ctm2, codevectors)
    quantized = quant.reshape(B, T, D)
    encodings = enc.reshape(_G, B, T, _K)
    distances = dist.reshape(_G, B, T, _K)
    perplexity = ppl.reshape(())
    return quantized, encodings, distances, perplexity

# --- scband reference (transcript-rebuilt; emitter-appended) ---
"""Pipeline reference for scband-wav2-vec2-quantizer-37314675867717 (READ-ONLY COPY).

The authoritative reference and input builder live on the scoring server;
editing this copy changes nothing except your own understanding.
"""

import jax, jax.numpy as jnp
import numpy as np

NUM_GROUPS = 2
NUM_CODEVECTORS = 320
CODEVECTOR_DIM = 256
B, T = 8, 2048


def setup_inputs(seed: int = 0) -> dict:
    key = jax.random.key(seed)
    k1, k2 = jax.random.split(key)
    hidden_states = jax.random.normal(k1, (B, T, CODEVECTOR_DIM), dtype=jnp.float32)
    codevectors = jax.random.normal(
        k2, (NUM_GROUPS, NUM_CODEVECTORS, CODEVECTOR_DIM // NUM_GROUPS), dtype=jnp.float32
    )
    return {"hidden_states": hidden_states, "codevectors": codevectors}


def reference(hidden_states, codevectors):
    batch_size, sequence_length, hidden_size = hidden_states.shape
    G, K, d = codevectors.shape
    hs = hidden_states.reshape(batch_size, sequence_length, G, hidden_size // G)
    distances_list = []
    for i in range(G):
        group_hidden = hs[:, :, i, :]
        reshaped_hidden = group_hidden.reshape(-1, d)
        group_vectors = codevectors[i]
        dist = jnp.sum(jnp.square(reshaped_hidden[:, None, :] - group_vectors[None, :, :]), axis=-1)
        dist = dist.reshape(batch_size, sequence_length, K)
        distances_list.append(dist)
    distances = jnp.stack(distances_list, axis=0)
    indices = jnp.argmin(distances, axis=-1)
    encodings = jax.nn.one_hot(indices, K, dtype=jnp.float32)
    quantized_features = []
    for i in range(G):
        encoding = encodings[i]
        quantized = jnp.matmul(encoding, codevectors[i])
        quantized_features.append(quantized)
    quantized_features = jnp.stack(quantized_features, axis=2)
    quantized_features = quantized_features.reshape(batch_size, sequence_length, -1)
    avg_probs = jnp.mean(encodings, axis=(1, 2))
    perplexity = jnp.exp(-jnp.sum(avg_probs * jnp.log(avg_probs + 1e-10), axis=-1))
    perplexity = jnp.mean(perplexity)
    return quantized_features, encodings, distances, perplexity

if __name__ == "__main__":
    import jax
    _d = setup_inputs()
    print(jax.jit(kernel)(*tuple(_d.values())))

</pallas_src>

<mosaic_0001>
module attributes {stable_mosaic.version = 14 : i64} {
  func.func @_vq_body(%arg0: i32, %arg1: memref<1024x256xf32, #tpu.memory_space<vmem>>, %arg2: memref<2x128x320xf32, #tpu.memory_space<vmem>>, %arg3: memref<2x320x128xf32, #tpu.memory_space<vmem>>, %arg4: memref<2x1024x320xf32, #tpu.memory_space<vmem>>, %arg5: memref<2x1024x320xf32, #tpu.memory_space<vmem>>, %arg6: memref<1024x256xf32, #tpu.memory_space<vmem>>, %arg7: memref<1x1xf32, #tpu.memory_space<vmem>>, %arg8: memref<2x320xf32, #tpu.memory_space<vmem>>) attributes {dimension_semantics = [#tpu.dimension_semantics<arbitrary>], iteration_bounds = array<i64: 16>, scalar_prefetch = 0 : i64, scratch_operands = 1 : i64, tpu.core_type = #tpu.core_type<tc>, window_params = [{transform_indices = @transform_0, window_bounds = array<i64: 1024, 256>}, {pipeline_mode = #tpu.pipeline_mode<synchronous>, transform_indices = @transform_1, window_bounds = array<i64: 2, 128, 320>}, {pipeline_mode = #tpu.pipeline_mode<synchronous>, transform_indices = @transform_2, window_bounds = array<i64: 2, 320, 128>}, {transform_indices = @transform_3, window_bounds = array<i64: 2, 1024, 320>}, {transform_indices = @transform_4, window_bounds = array<i64: 2, 1024, 320>}, {transform_indices = @transform_5, window_bounds = array<i64: 1024, 256>}, {pipeline_mode = #tpu.pipeline_mode<synchronous>, transform_indices = @transform_6, window_bounds = array<i64: 1, 1>}]} {
    %eq3A = arith.constant 0 : i32
    %eq3A_0 = arith.cmpi eq, %arg0, %eq3A : i32
    %convert_element_type3A = arith.extui %eq3A_0 : i1 to i32
    %cond3A = arith.constant 0 : i32
    %cond3A_1 = arith.cmpi ne, %convert_element_type3A, %cond3A : i32
    scf.if %cond3A_1 {
      %broadcast_in_dim3A_275 = arith.constant 0.000000e+00 : f32
      %broadcast_in_dim3A_276 = vector.broadcast %broadcast_in_dim3A_275 : f32 to vector<2x320xf32>
      %swap3A_277 = arith.constant 0 : index
      %swap3A_278 = arith.constant 0 : index
      %swap3A_279 = vector.load %arg8[%swap3A_277, %swap3A_278] : memref<2x320xf32, #tpu.memory_space<vmem>>, vector<2x320xf32>
      tpu.vector_store %arg8[%swap3A_277, %swap3A_278], %broadcast_in_dim3A_276 {strides = array<i32>} : memref<2x320xf32, #tpu.memory_space<vmem>>, vector<2x320xf32>,
    } else {
    }
    %get3A = arith.constant 0 : index
    %get3A_2 = arith.constant 0 : index
    %get3A_3 = vector.load %arg1[%get3A, %get3A_2] : memref<1024x256xf32, #tpu.memory_space<vmem>>, vector<1024x256xf32>
    %iota3A = tpu.iota {dimensions = array<i32: 1>} : vector<1024x320xi32>
    %slice3A = vector.extract_strided_slice %get3A_3 {offsets = [0, 0], sizes = [1024, 128], strides = [1, 1]} : vector<1024x256xf32> to vector<1024x128xf32>
    %get3A_4 = arith.constant 0 : index
    %get3A_5 = arith.constant 0 : index
    %get3A_6 = arith.constant 0 : index
    %get3A_7 = vector.load %arg3[%get3A_4, %get3A_5, %get3A_6] : memref<2x320x128xf32, #tpu.memory_space<vmem>>, vector<1x320x128xf32>
    %get3A_8 = vector.shape_cast %get3A_7 : vector<1x320x128xf32> to vector<320x128xf32>
    %mul3A = arith.mulf %get3A_8, %get3A_8 : vector<320x128xf32>
    %reduce_sum3A = arith.constant dense<0.000000e+00> : vector<320xf32>
    %reduce_sum3A_9 = vector.multi_reduction <add>, %mul3A, %reduce_sum3A [1] : vector<320x128xf32> to vector<320xf32>
    %get3A_10 = arith.constant 0 : index
    %get3A_11 = arith.constant 0 : index
    %get3A_12 = arith.constant 0 : index
    %get3A_13 = vector.load %arg2[%get3A_10, %get3A_11, %get3A_12] : memref<2x128x320xf32, #tpu.memory_space<vmem>>, vector<1x128x320xf32>
    %get3A_14 = vector.shape_cast %get3A_13 : vector<1x128x320xf32> to vector<128x320xf32>
    %convert_element_type3A_15 = arith.truncf %slice3A : vector<1024x128xf32> to vector<1024x128xbf16>
    %convert_element_type3A_16 = arith.extf %convert_element_type3A_15 : vector<1024x128xbf16> to vector<1024x128xf32>
    %sub3A = arith.subf %slice3A, %convert_element_type3A_16 : vector<1024x128xf32>
    %convert_element_type3A_17 = arith.truncf %sub3A : vector<1024x128xf32> to vector<1024x128xbf16>
    %convert_element_type3A_18 = arith.truncf %get3A_14 : vector<128x320xf32> to vector<128x320xbf16>
    %convert_element_type3A_19 = arith.extf %convert_element_type3A_18 : vector<128x320xbf16> to vector<128x320xf32>
    %sub3A_20 = arith.subf %get3A_14, %convert_element_type3A_19 : vector<128x320xf32>
    %convert_element_type3A_21 = arith.truncf %sub3A_20 : vector<128x320xf32> to vector<128x320xbf16>
    %dot_general3A = arith.constant dense<0.000000e+00> : vector<1024x320xf32>
    %dot_general3A_22 = tpu.matmul %convert_element_type3A_15, %convert_element_type3A_18, %dot_general3A {dimension_numbers = #tpu.dot_dimension_numbers<[1], [0], [0], [1], [0, 0, 1, 1], [], []>, transpose_lhs_hint = false} : vector<1024x128xbf16>, vector<128x320xbf16>, vector<1024x320xf32> -> vector<1024x320xf32>
    %dot_general3A_23 = arith.constant dense<0.000000e+00> : vector<1024x320xf32>
    %dot_general3A_24 = tpu.matmul %convert_element_type3A_15, %convert_element_type3A_21, %dot_general3A_23 {dimension_numbers = #tpu.dot_dimension_numbers<[1], [0], [0], [1], [0, 0, 1, 1], [], []>, transpose_lhs_hint = false} : vector<1024x128xbf16>, vector<128x320xbf16>, vector<1024x320xf32> -> vector<1024x320xf32>
    %add3A = arith.addf %dot_general3A_22, %dot_general3A_24 : vector<1024x320xf32>
    %dot_general3A_25 = arith.constant dense<0.000000e+00> : vector<1024x320xf32>
    %dot_general3A_26 = tpu.matmul %convert_element_type3A_17, %convert_element_type3A_18, %dot_general3A_25 {dimension_numbers = #tpu.dot_dimension_numbers<[1], [0], [0], [1], [0, 0, 1, 1], [], []>, transpose_lhs_hint = false} : vector<1024x128xbf16>, vector<128x320xbf16>, vector<1024x320xf32> -> vector<1024x320xf32>
    %add3A_27 = arith.addf %add3A, %dot_general3A_26 : vector<1024x320xf32>
    %mul3A_28 = arith.mulf %slice3A, %slice3A : vector<1024x128xf32>
    %reduce_sum3A_29 = arith.constant dense<0.000000e+00> : vector<1024xf32>
    %reduce_sum3A_30 = vector.multi_reduction <add>, %mul3A_28, %reduce_sum3A_29 [1] : vector<1024x128xf32> to vector<1024xf32>
    %broadcast_in_dim3A = vector.shape_cast %reduce_sum3A_30 : vector<1024xf32> to vector<1024x1xf32>
    %broadcast_in_dim3A_31 = vector.shape_cast %reduce_sum3A_9 : vector<320xf32> to vector<1x320xf32>
    %add3A_32 = vector.broadcast %broadcast_in_dim3A : vector<1024x1xf32> to vector<1024x320xf32>
    %add3A_33 = vector.broadcast %broadcast_in_dim3A_31 : vector<1x320xf32> to vector<1024x320xf32>
    %add3A_34 = arith.addf %add3A_32, %add3A_33 : vector<1024x320xf32>
    %add3A_35 = arith.addf %add3A_34, %add3A_27 : vector<1024x320xf32>
    %swap3A = arith.constant 0 : index
    %swap3A_36 = arith.constant 0 : index
    %swap3A_37 = arith.constant 0 : index
    %swap3A_38 = vector.load %arg4[%swap3A, %swap3A_36, %swap3A_37] : memref<2x1024x320xf32, #tpu.memory_space<vmem>>, vector<1x1024x320xf32>
    %swap3A_39 = vector.shape_cast %swap3A_38 : vector<1x1024x320xf32> to vector<1024x320xf32>
    %swap3A_40 = vector.shape_cast %add3A_35 : vector<1024x320xf32> to vector<1x1024x320xf32>
    tpu.vector_store %arg4[%swap3A, %swap3A_36, %swap3A_37], %swap3A_40 {strides = array<i32>} : memref<2x1024x320xf32, #tpu.memory_space<vmem>>, vector<1x1024x320xf32>,
    %bitcast_convert_type3A = tpu.bitcast %add3A_35 : vector<1024x320xf32> -> vector<1024x320xi32>
    %and3A = arith.constant -512 : i32
    %and3A_41 = vector.broadcast %and3A : i32 to vector<1024x320xi32>
    %and3A_42 = arith.andi %bitcast_convert_type3A, %and3A_41 : vector<1024x320xi32>
    %or3A = arith.ori %and3A_42, %iota3A : vector<1024x320xi32>
    %reduce_min3A = arith.constant dense<2147483647> : vector<1024xi32>
    %reduce_min3A_43 = vector.multi_reduction <minsi>, %or3A, %reduce_min3A [1] : vector<1024x320xi32> to vector<1024xi32>
    %broadcast_in_dim3A_44 = vector.shape_cast %reduce_min3A_43 : vector<1024xi32> to vector<1024x1xi32>
    %and3A_45 = arith.constant 511 : i32
    %and3A_46 = vector.broadcast %and3A_45 : i32 to vector<1024x1xi32>
    %and3A_47 = arith.andi %broadcast_in_dim3A_44, %and3A_46 : vector<1024x1xi32>
    %eq3A_48 = vector.broadcast %broadcast_in_dim3A_44 : vector<1024x1xi32> to vector<1024x320xi32>
    %eq3A_49 = arith.cmpi eq, %or3A, %eq3A_48 : vector<1024x320xi32>
    %jit3A = arith.constant 2147483647 : i32
    %broadcast_in_dim3A_50 = vector.broadcast %jit3A : i32 to vector<1024x320xi32>
    %select_n3A = arith.select %eq3A_49, %broadcast_in_dim3A_50, %or3A : vector<1024x320xi1>, vector<1024x320xi32>
    %reduce_min3A_51 = arith.constant dense<2147483647> : vector<1024xi32>
    %reduce_min3A_52 = vector.multi_reduction <minsi>, %select_n3A, %reduce_min3A_51 [1] : vector<1024x320xi32> to vector<1024xi32>
    %broadcast_in_dim3A_53 = vector.shape_cast %reduce_min3A_52 : vector<1024xi32> to vector<1024x1xi32>
    %and3A_54 = arith.constant 511 : i32
    %and3A_55 = vector.broadcast %and3A_54 : i32 to vector<1024x1xi32>
    %and3A_56 = arith.andi %broadcast_in_dim3A_53, %and3A_55 : vector<1024x1xi32>
    %eq3A_57 = vector.broadcast %and3A_47 : vector<1024x1xi32> to vector<1024x320xi32>
    %eq3A_58 = arith.cmpi eq, %iota3A, %eq3A_57 : vector<1024x320xi32>
    %convert_element_type3A_59 = arith.extui %eq3A_58 : vector<1024x320xi1> to vector<1024x320xi32>
    %convert_element_type3A_60 = arith.sitofp %convert_element_type3A_59 : vector<1024x320xi32> to vector<1024x320xf32>
    %convert_element_type3A_61 = arith.truncf %convert_element_type3A_60 : vector<1024x320xf32> to vector<1024x320xbf16>
    %eq3A_62 = vector.broadcast %and3A_56 : vector<1024x1xi32> to vector<1024x320xi32>
    %eq3A_63 = arith.cmpi eq, %iota3A, %eq3A_62 : vector<1024x320xi32>
    %convert_element_type3A_64 = arith.extui %eq3A_63 : vector<1024x320xi1> to vector<1024x320xi32>
    %convert_element_type3A_65 = arith.sitofp %convert_element_type3A_64 : vector<1024x320xi32> to vector<1024x320xf32>
    %convert_element_type3A_66 = arith.truncf %convert_element_type3A_65 : vector<1024x320xf32> to vector<1024x320xbf16>
    %convert_element_type3A_67 = arith.truncf %get3A_8 : vector<320x128xf32> to vector<320x128xbf16>
    %convert_element_type3A_68 = arith.extf %convert_element_type3A_67 : vector<320x128xbf16> to vector<320x128xf32>
    %sub3A_69 = arith.subf %get3A_8, %convert_element_type3A_68 : vector<320x128xf32>
    %convert_element_type3A_70 = arith.truncf %sub3A_69 : vector<320x128xf32> to vector<320x128xbf16>
    %convert_element_type3A_71 = arith.extf %convert_element_type3A_70 : vector<320x128xbf16> to vector<320x128xf32>
    %sub3A_72 = arith.subf %sub3A_69, %convert_element_type3A_71 : vector<320x128xf32>
    %convert_element_type3A_73 = arith.truncf %sub3A_72 : vector<320x128xf32> to vector<320x128xbf16>
    %dot_general3A_74 = arith.constant dense<0.000000e+00> : vector<1024x128xf32>
    %dot_general3A_75 = tpu.matmul %convert_element_type3A_61, %convert_element_type3A_67, %dot_general3A_74 {dimension_numbers = #tpu.dot_dimension_numbers<[1], [0], [0], [1], [0, 0, 1, 1], [], []>, transpose_lhs_hint = false} : vector<1024x320xbf16>, vector<320x128xbf16>, vector<1024x128xf32> -> vector<1024x128xf32>
    %dot_general3A_76 = arith.constant dense<0.000000e+00> : vector<1024x128xf32>
    %dot_general3A_77 = tpu.matmul %convert_element_type3A_61, %convert_element_type3A_70, %dot_general3A_76 {dimension_numbers = #tpu.dot_dimension_numbers<[1], [0], [0], [1], [0, 0, 1, 1], [], []>, transpose_lhs_hint = false} : vector<1024x320xbf16>, vector<320x128xbf16>, vector<1024x128xf32> -> vector<1024x128xf32>
    %add3A_78 = arith.addf %dot_general3A_75, %dot_general3A_77 : vector<1024x128xf32>
    %dot_general3A_79 = arith.constant dense<0.000000e+00> : vector<1024x128xf32>
    %dot_general3A_80 = tpu.matmul %convert_element_type3A_61, %convert_element_type3A_73, %dot_general3A_79 {dimension_numbers = #tpu.dot_dimension_numbers<[1], [0], [0], [1], [0, 0, 1, 1], [], []>, transpose_lhs_hint = false} : vector<1024x320xbf16>, vector<320x128xbf16>, vector<1024x128xf32> -> vector<1024x128xf32>
    %add3A_81 = arith.addf %add3A_78, %dot_general3A_80 : vector<1024x128xf32>
    %dot_general3A_82 = arith.constant dense<0.000000e+00> : vector<1024x128xf32>
    %dot_general3A_83 = tpu.matmul %convert_element_type3A_66, %convert_element_type3A_67, %dot_general3A_82 {dimension_numbers = #tpu.dot_dimension_numbers<[1], [0], [0], [1], [0, 0, 1, 1], [], []>, transpose_lhs_hint = false} : vector<1024x320xbf16>, vector<320x128xbf16>, vector<1024x128xf32> -> vector<1024x128xf32>
    %dot_general3A_84 = arith.constant dense<0.000000e+00> : vector<1024x128xf32>
    %dot_general3A_85 = tpu.matmul %convert_element_type3A_66, %convert_element_type3A_70, %dot_general3A_84 {dimension_numbers = #tpu.dot_dimension_numbers<[1], [0], [0], [1], [0, 0, 1, 1], [], []>, transpose_lhs_hint = false} : vector<1024x320xbf16>, vector<320x128xbf16>, vector<1024x128xf32> -> vector<1024x128xf32>
    %add3A_86 = arith.addf %dot_general3A_83, %dot_general3A_85 : vector<1024x128xf32>
    %dot_general3A_87 = arith.constant dense<0.000000e+00> : vector<1024x128xf32>
    %dot_general3A_88 = tpu.matmul %convert_element_type3A_66, %convert_element_type3A_73, %dot_general3A_87 {dimension_numbers = #tpu.dot_dimension_numbers<[1], [0], [0], [1], [0, 0, 1, 1], [], []>, transpose_lhs_hint = false} : vector<1024x320xbf16>, vector<320x128xbf16>, vector<1024x128xf32> -> vector<1024x128xf32>
    %add3A_89 = arith.addf %add3A_86, %dot_general3A_88 : vector<1024x128xf32>
    %sub3A_90 = arith.subf %slice3A, %add3A_81 : vector<1024x128xf32>
    %integer_pow3A = arith.mulf %sub3A_90, %sub3A_90 : vector<1024x128xf32>
    %reduce_sum3A_91 = arith.constant dense<0.000000e+00> : vector<1024xf32>
    %reduce_sum3A_92 = vector.multi_reduction <add>, %integer_pow3A, %reduce_sum3A_91 [1] : vector<1024x128xf32> to vector<1024xf32>
    %broadcast_in_dim3A_93 = vector.shape_cast %reduce_sum3A_92 : vector<1024xf32> to vector<1024x1xf32>
    %sub3A_94 = arith.subf %slice3A, %add3A_89 : vector<1024x128xf32>
    %integer_pow3A_95 = arith.mulf %sub3A_94, %sub3A_94 : vector<1024x128xf32>
    %reduce_sum3A_96 = arith.constant dense<0.000000e+00> : vector<1024xf32>
    %reduce_sum3A_97 = vector.multi_reduction <add>, %integer_pow3A_95, %reduce_sum3A_96 [1] : vector<1024x128xf32> to vector<1024xf32>
    %broadcast_in_dim3A_98 = vector.shape_cast %reduce_sum3A_97 : vector<1024xf32> to vector<1024x1xf32>
    %lt3A = arith.cmpf olt, %broadcast_in_dim3A_93, %broadcast_in_dim3A_98 : vector<1024x1xf32>
    %eq3A_99 = arith.cmpf oeq, %broadcast_in_dim3A_93, %broadcast_in_dim3A_98 : vector<1024x1xf32>
    %lt3A_100 = arith.cmpi slt, %and3A_47, %and3A_56 : vector<1024x1xi32>
    %and3A_101 = arith.andi %eq3A_99, %lt3A_100 : vector<1024x1xi1>
    %or3A_102 = arith.ori %lt3A, %and3A_101 : vector<1024x1xi1>
    %broadcast_in_dim3A_103 = vector.shape_cast %or3A_102 : vector<1024x1xi1> to vector<1024x1xi1>
    %broadcast_in_dim3A_104 = vector.broadcast %broadcast_in_dim3A_103 : vector<1024x1xi1> to vector<1024x320xi1>
    %select_n3A_105 = arith.select %broadcast_in_dim3A_104, %convert_element_type3A_61, %convert_element_type3A_66 : vector<1024x320xi1>, vector<1024x320xbf16>
    %convert_element_type3A_106 = arith.extf %select_n3A_105 : vector<1024x320xbf16> to vector<1024x320xf32>
    %swap3A_107 = arith.constant 0 : index
    %swap3A_108 = arith.constant 0 : index
    %swap3A_109 = arith.constant 0 : index
    %swap3A_110 = vector.load %arg5[%swap3A_107, %swap3A_108, %swap3A_109] : memref<2x1024x320xf32, #tpu.memory_space<vmem>>, vector<1x1024x320xf32>
    %swap3A_111 = vector.shape_cast %swap3A_110 : vector<1x1024x320xf32> to vector<1024x320xf32>
    %swap3A_112 = vector.shape_cast %convert_element_type3A_106 : vector<1024x320xf32> to vector<1x1024x320xf32>
    tpu.vector_store %arg5[%swap3A_107, %swap3A_108, %swap3A_109], %swap3A_112 {strides = array<i32>} : memref<2x1024x320xf32, #tpu.memory_space<vmem>>, vector<1x1024x320xf32>,
    %broadcast_in_dim3A_113 = vector.shape_cast %or3A_102 : vector<1024x1xi1> to vector<1024x1xi1>
    %broadcast_in_dim3A_114 = vector.broadcast %broadcast_in_dim3A_113 : vector<1024x1xi1> to vector<1024x128xi1>
    %select_n3A_115 = arith.select %broadcast_in_dim3A_114, %add3A_81, %add3A_89 : vector<1024x128xi1>, vector<1024x128xf32>
    %swap3A_116 = arith.constant 0 : index
    %swap3A_117 = arith.constant 0 : index
    %swap3A_118 = vector.load %arg6[%swap3A_116, %swap3A_117] : memref<1024x256xf32, #tpu.memory_space<vmem>>, vector<1024x128xf32>
    tpu.vector_store %arg6[%swap3A_116, %swap3A_117], %select_n3A_115 {strides = array<i32>} : memref<1024x256xf32, #tpu.memory_space<vmem>>, vector<1024x128xf32>,
    %get3A_119 = arith.constant 0 : index
    %get3A_120 = arith.constant 0 : index
    %get3A_121 = vector.load %arg8[%get3A_119, %get3A_120] : memref<2x320xf32, #tpu.memory_space<vmem>>, vector<1x320xf32>
    %reduce_sum3A_122 = arith.constant dense<0.000000e+00> : vector<320xf32>
    %reduce_sum3A_123 = vector.multi_reduction <add>, %convert_element_type3A_106, %reduce_sum3A_122 [0] : vector<1024x320xf32> to vector<320xf32>
    %broadcast_in_dim3A_124 = vector.shape_cast %reduce_sum3A_123 : vector<320xf32> to vector<1x320xf32>
    %add3A_125 = arith.addf %get3A_121, %broadcast_in_dim3A_124 : vector<1x320xf32>
    %swap3A_126 = arith.constant 0 : index
    %swap3A_127 = arith.constant 0 : index
    %swap3A_128 = vector.load %arg8[%swap3A_126, %swap3A_127] : memref<2x320xf32, #tpu.memory_space<vmem>>, vector<1x320xf32>
    tpu.vector_store %arg8[%swap3A_126, %swap3A_127], %add3A_125 {strides = array<i32>} : memref<2x320xf32, #tpu.memory_space<vmem>>, vector<1x320xf32>,
    %slice3A_129 = vector.extract_strided_slice %get3A_3 {offsets = [0, 128], sizes = [1024, 128], strides = [1, 1]} : vector<1024x256xf32> to vector<1024x128xf32>
    %get3A_130 = arith.constant 1 : index
    %get3A_131 = arith.constant 0 : index
    %get3A_132 = arith.constant 0 : index
    %get3A_133 = vector.load %arg3[%get3A_130, %get3A_131, %get3A_132] : memref<2x320x128xf32, #tpu.memory_space<vmem>>, vector<1x320x128xf32>
    %get3A_134 = vector.shape_cast %get3A_133 : vector<1x320x128xf32> to vector<320x128xf32>
    %mul3A_135 = arith.mulf %get3A_134, %get3A_134 : vector<320x128xf32>
    %reduce_sum3A_136 = arith.constant dense<0.000000e+00> : vector<320xf32>
    %reduce_sum3A_137 = vector.multi_reduction <add>, %mul3A_135, %reduce_sum3A_136 [1] : vector<320x128xf32> to vector<320xf32>
    %get3A_138 = arith.constant 1 : index
    %get3A_139 = arith.constant 0 : index
    %get3A_140 = arith.constant 0 : index
    %get3A_141 = vector.load %arg2[%get3A_138, %get3A_139, %get3A_140] : memref<2x128x320xf32, #tpu.memory_space<vmem>>, vector<1x128x320xf32>
    %get3A_142 = vector.shape_cast %get3A_141 : vector<1x128x320xf32> to vector<128x320xf32>
    %convert_element_type3A_143 = arith.truncf %slice3A_129 : vector<1024x128xf32> to vector<1024x128xbf16>
    %convert_element_type3A_144 = arith.extf %convert_element_type3A_143 : vector<1024x128xbf16> to vector<1024x128xf32>
    %sub3A_145 = arith.subf %slice3A_129, %convert_element_type3A_144 : vector<1024x128xf32>
    %convert_element_type3A_146 = arith.truncf %sub3A_145 : vector<1024x128xf32> to vector<1024x128xbf16>
    %convert_element_type3A_147 = arith.truncf %get3A_142 : vector<128x320xf32> to vector<128x320xbf16>
    %convert_element_type3A_148 = arith.extf %convert_element_type3A_147 : vector<128x320xbf16> to vector<128x320xf32>
    %sub3A_149 = arith.subf %get3A_142, %convert_element_type3A_148 : vector<128x320xf32>
    %convert_element_type3A_150 = arith.truncf %sub3A_149 : vector<128x320xf32> to vector<128x320xbf16>
    %dot_general3A_151 = arith.constant dense<0.000000e+00> : vector<1024x320xf32>
    %dot_general3A_152 = tpu.matmul %convert_element_type3A_143, %convert_element_type3A_147, %dot_general3A_151 {dimension_numbers = #tpu.dot_dimension_numbers<[1], [0], [0], [1], [0, 0, 1, 1], [], []>, transpose_lhs_hint = false} : vector<1024x128xbf16>, vector<128x320xbf16>, vector<1024x320xf32> -> vector<1024x320xf32>
    %dot_general3A_153 = arith.constant dense<0.000000e+00> : vector<1024x320xf32>
    %dot_general3A_154 = tpu.matmul %convert_element_type3A_143, %convert_element_type3A_150, %dot_general3A_153 {dimension_numbers = #tpu.dot_dimension_numbers<[1], [0], [0], [1], [0, 0, 1, 1], [], []>, transpose_lhs_hint = false} : vector<1024x128xbf16>, vector<128x320xbf16>, vector<1024x320xf32> -> vector<1024x320xf32>
    %add3A_155 = arith.addf %dot_general3A_152, %dot_general3A_154 : vector<1024x320xf32>
    %dot_general3A_156 = arith.constant dense<0.000000e+00> : vector<1024x320xf32>
    %dot_general3A_157 = tpu.matmul %convert_element_type3A_146, %convert_element_type3A_147, %dot_general3A_156 {dimension_numbers = #tpu.dot_dimension_numbers<[1], [0], [0], [1], [0, 0, 1, 1], [], []>, transpose_lhs_hint = false} : vector<1024x128xbf16>, vector<128x320xbf16>, vector<1024x320xf32> -> vector<1024x320xf32>
    %add3A_158 = arith.addf %add3A_155, %dot_general3A_157 : vector<1024x320xf32>
    %mul3A_159 = arith.mulf %slice3A_129, %slice3A_129 : vector<1024x128xf32>
    %reduce_sum3A_160 = arith.constant dense<0.000000e+00> : vector<1024xf32>
    %reduce_sum3A_161 = vector.multi_reduction <add>, %mul3A_159, %reduce_sum3A_160 [1] : vector<1024x128xf32> to vector<1024xf32>
    %broadcast_in_dim3A_162 = vector.shape_cast %reduce_sum3A_161 : vector<1024xf32> to vector<1024x1xf32>
    %broadcast_in_dim3A_163 = vector.shape_cast %reduce_sum3A_137 : vector<320xf32> to vector<1x320xf32>
    %add3A_164 = vector.broadcast %broadcast_in_dim3A_162 : vector<1024x1xf32> to vector<1024x320xf32>
    %add3A_165 = vector.broadcast %broadcast_in_dim3A_163 : vector<1x320xf32> to vector<1024x320xf32>
    %add3A_166 = arith.addf %add3A_164, %add3A_165 : vector<1024x320xf32>
    %add3A_167 = arith.addf %add3A_166, %add3A_158 : vector<1024x320xf32>
    %swap3A_168 = arith.constant 1 : index
    %swap3A_169 = arith.constant 0 : index
    %swap3A_170 = arith.constant 0 : index
    %swap3A_171 = vector.load %arg4[%swap3A_168, %swap3A_169, %swap3A_170] : memref<2x1024x320xf32, #tpu.memory_space<vmem>>, vector<1x1024x320xf32>
    %swap3A_172 = vector.shape_cast %swap3A_171 : vector<1x1024x320xf32> to vector<1024x320xf32>
    %swap3A_173 = vector.shape_cast %add3A_167 : vector<1024x320xf32> to vector<1x1024x320xf32>
    tpu.vector_store %arg4[%swap3A_168, %swap3A_169, %swap3A_170], %swap3A_173 {strides = array<i32>} : memref<2x1024x320xf32, #tpu.memory_space<vmem>>, vector<1x1024x320xf32>,
    %bitcast_convert_type3A_174 = tpu.bitcast %add3A_167 : vector<1024x320xf32> -> vector<1024x320xi32>
    %and3A_175 = arith.constant -512 : i32
    %and3A_176 = vector.broadcast %and3A_175 : i32 to vector<1024x320xi32>
    %and3A_177 = arith.andi %bitcast_convert_type3A_174, %and3A_176 : vector<1024x320xi32>
    %or3A_178 = arith.ori %and3A_177, %iota3A : vector<1024x320xi32>
    %reduce_min3A_179 = arith.constant dense<2147483647> : vector<1024xi32>
    %reduce_min3A_180 = vector.multi_reduction <minsi>, %or3A_178, %reduce_min3A_179 [1] : vector<1024x320xi32> to vector<1024xi32>
    %broadcast_in_dim3A_181 = vector.shape_cast %reduce_min3A_180 : vector<1024xi32> to vector<1024x1xi32>
    %and3A_182 = arith.constant 511 : i32
    %and3A_183 = vector.broadcast %and3A_182 : i32 to vector<1024x1xi32>
    %and3A_184 = arith.andi %broadcast_in_dim3A_181, %and3A_183 : vector<1024x1xi32>
    %eq3A_185 = vector.broadcast %broadcast_in_dim3A_181 : vector<1024x1xi32> to vector<1024x320xi32>
    %eq3A_186 = arith.cmpi eq, %or3A_178, %eq3A_185 : vector<1024x320xi32>
    %jit3A_187 = arith.constant 2147483647 : i32
    %broadcast_in_dim3A_188 = vector.broadcast %jit3A_187 : i32 to vector<1024x320xi32>
    %select_n3A_189 = arith.select %eq3A_186, %broadcast_in_dim3A_188, %or3A_178 : vector<1024x320xi1>, vector<1024x320xi32>
    %reduce_min3A_190 = arith.constant dense<2147483647> : vector<1024xi32>
    %reduce_min3A_191 = vector.multi_reduction <minsi>, %select_n3A_189, %reduce_min3A_190 [1] : vector<1024x320xi32> to vector<1024xi32>
    %broadcast_in_dim3A_192 = vector.shape_cast %reduce_min3A_191 : vector<1024xi32> to vector<1024x1xi32>
    %and3A_193 = arith.constant 511 : i32
    %and3A_194 = vector.broadcast %and3A_193 : i32 to vector<1024x1xi32>
    %and3A_195 = arith.andi %broadcast_in_dim3A_192, %and3A_194 : vector<1024x1xi32>
    %eq3A_196 = vector.broadcast %and3A_184 : vector<1024x1xi32> to vector<1024x320xi32>
    %eq3A_197 = arith.cmpi eq, %iota3A, %eq3A_196 : vector<1024x320xi32>
    %convert_element_type3A_198 = arith.extui %eq3A_197 : vector<1024x320xi1> to vector<1024x320xi32>
    %convert_element_type3A_199 = arith.sitofp %convert_element_type3A_198 : vector<1024x320xi32> to vector<1024x320xf32>
    %convert_element_type3A_200 = arith.truncf %convert_element_type3A_199 : vector<1024x320xf32> to vector<1024x320xbf16>
    %eq3A_201 = vector.broadcast %and3A_195 : vector<1024x1xi32> to vector<1024x320xi32>
    %eq3A_202 = arith.cmpi eq, %iota3A, %eq3A_201 : vector<1024x320xi32>
    %convert_element_type3A_203 = arith.extui %eq3A_202 : vector<1024x320xi1> to vector<1024x320xi32>
    %convert_element_type3A_204 = arith.sitofp %convert_element_type3A_203 : vector<1024x320xi32> to vector<1024x320xf32>
    %convert_element_type3A_205 = arith.truncf %convert_element_type3A_204 : vector<1024x320xf32> to vector<1024x320xbf16>
    %convert_element_type3A_206 = arith.truncf %get3A_134 : vector<320x128xf32> to vector<320x128xbf16>
    %convert_element_type3A_207 = arith.extf %convert_element_type3A_206 : vector<320x128xbf16> to vector<320x128xf32>
    %sub3A_208 = arith.subf %get3A_134, %convert_element_type3A_207 : vector<320x128xf32>
    %convert_element_type3A_209 = arith.truncf %sub3A_208 : vector<320x128xf32> to vector<320x128xbf16>
    %convert_element_type3A_210 = arith.extf %convert_element_type3A_209 : vector<320x128xbf16> to vector<320x128xf32>
    %sub3A_211 = arith.subf %sub3A_208, %convert_element_type3A_210 : vector<320x128xf32>
    %convert_element_type3A_212 = arith.truncf %sub3A_211 : vector<320x128xf32> to vector<320x128xbf16>
    %dot_general3A_213 = arith.constant dense<0.000000e+00> : vector<1024x128xf32>
    %dot_general3A_214 = tpu.matmul %convert_element_type3A_200, %convert_element_type3A_206, %dot_general3A_213 {dimension_numbers = #tpu.dot_dimension_numbers<[1], [0], [0], [1], [0, 0, 1, 1], [], []>, transpose_lhs_hint = false} : vector<1024x320xbf16>, vector<320x128xbf16>, vector<1024x128xf32> -> vector<1024x128xf32>
    %dot_general3A_215 = arith.constant dense<0.000000e+00> : vector<1024x128xf32>
    %dot_general3A_216 = tpu.matmul %convert_element_type3A_200, %convert_element_type3A_209, %dot_general3A_215 {dimension_numbers = #tpu.dot_dimension_numbers<[1], [0], [0], [1], [0, 0, 1, 1], [], []>, transpose_lhs_hint = false} : vector<1024x320xbf16>, vector<320x128xbf16>, vector<1024x128xf32> -> vector<1024x128xf32>
    %add3A_217 = arith.addf %dot_general3A_214, %dot_general3A_216 : vector<1024x128xf32>
    %dot_general3A_218 = arith.constant dense<0.000000e+00> : vector<1024x128xf32>
    %dot_general3A_219 = tpu.matmul %convert_element_type3A_200, %convert_element_type3A_212, %dot_general3A_218 {dimension_numbers = #tpu.dot_dimension_numbers<[1], [0], [0], [1], [0, 0, 1, 1], [], []>, transpose_lhs_hint = false} : vector<1024x320xbf16>, vector<320x128xbf16>, vector<1024x128xf32> -> vector<1024x128xf32>
    %add3A_220 = arith.addf %add3A_217, %dot_general3A_219 : vector<1024x128xf32>
    %dot_general3A_221 = arith.constant dense<0.000000e+00> : vector<1024x128xf32>
    %dot_general3A_222 = tpu.matmul %convert_element_type3A_205, %convert_element_type3A_206, %dot_general3A_221 {dimension_numbers = #tpu.dot_dimension_numbers<[1], [0], [0], [1], [0, 0, 1, 1], [], []>, transpose_lhs_hint = false} : vector<1024x320xbf16>, vector<320x128xbf16>, vector<1024x128xf32> -> vector<1024x128xf32>
    %dot_general3A_223 = arith.constant dense<0.000000e+00> : vector<1024x128xf32>
    %dot_general3A_224 = tpu.matmul %convert_element_type3A_205, %convert_element_type3A_209, %dot_general3A_223 {dimension_numbers = #tpu.dot_dimension_numbers<[1], [0], [0], [1], [0, 0, 1, 1], [], []>, transpose_lhs_hint = false} : vector<1024x320xbf16>, vector<320x128xbf16>, vector<1024x128xf32> -> vector<1024x128xf32>
    %add3A_225 = arith.addf %dot_general3A_222, %dot_general3A_224 : vector<1024x128xf32>
    %dot_general3A_226 = arith.constant dense<0.000000e+00> : vector<1024x128xf32>
    %dot_general3A_227 = tpu.matmul %convert_element_type3A_205, %convert_element_type3A_212, %dot_general3A_226 {dimension_numbers = #tpu.dot_dimension_numbers<[1], [0], [0], [1], [0, 0, 1, 1], [], []>, transpose_lhs_hint = false} : vector<1024x320xbf16>, vector<320x128xbf16>, vector<1024x128xf32> -> vector<1024x128xf32>
    %add3A_228 = arith.addf %add3A_225, %dot_general3A_227 : vector<1024x128xf32>
    %sub3A_229 = arith.subf %slice3A_129, %add3A_220 : vector<1024x128xf32>
    %integer_pow3A_230 = arith.mulf %sub3A_229, %sub3A_229 : vector<1024x128xf32>
    %reduce_sum3A_231 = arith.constant dense<0.000000e+00> : vector<1024xf32>
    %reduce_sum3A_232 = vector.multi_reduction <add>, %integer_pow3A_230, %reduce_sum3A_231 [1] : vector<1024x128xf32> to vector<1024xf32>
    %broadcast_in_dim3A_233 = vector.shape_cast %reduce_sum3A_232 : vector<1024xf32> to vector<1024x1xf32>
    %sub3A_234 = arith.subf %slice3A_129, %add3A_228 : vector<1024x128xf32>
    %integer_pow3A_235 = arith.mulf %sub3A_234, %sub3A_234 : vector<1024x128xf32>
    %reduce_sum3A_236 = arith.constant dense<0.000000e+00> : vector<1024xf32>
    %reduce_sum3A_237 = vector.multi_reduction <add>, %integer_pow3A_235, %reduce_sum3A_236 [1] : vector<1024x128xf32> to vector<1024xf32>
    %broadcast_in_dim3A_238 = vector.shape_cast %reduce_sum3A_237 : vector<1024xf32> to vector<1024x1xf32>
    %lt3A_239 = arith.cmpf olt, %broadcast_in_dim3A_233, %broadcast_in_dim3A_238 : vector<1024x1xf32>
    %eq3A_240 = arith.cmpf oeq, %broadcast_in_dim3A_233, %broadcast_in_dim3A_238 : vector<1024x1xf32>
    %lt3A_241 = arith.cmpi slt, %and3A_184, %and3A_195 : vector<1024x1xi32>
    %and3A_242 = arith.andi %eq3A_240, %lt3A_241 : vector<1024x1xi1>
    %or3A_243 = arith.ori %lt3A_239, %and3A_242 : vector<1024x1xi1>
    %broadcast_in_dim3A_244 = vector.shape_cast %or3A_243 : vector<1024x1xi1> to vector<1024x1xi1>
    %broadcast_in_dim3A_245 = vector.broadcast %broadcast_in_dim3A_244 : vector<1024x1xi1> to vector<1024x320xi1>
    %select_n3A_246 = arith.select %broadcast_in_dim3A_245, %convert_element_type3A_200, %convert_element_type3A_205 : vector<1024x320xi1>, vector<1024x320xbf16>
    %convert_element_type3A_247 = arith.extf %select_n3A_246 : vector<1024x320xbf16> to vector<1024x320xf32>
    %swap3A_248 = arith.constant 1 : index
    %swap3A_249 = arith.constant 0 : index
    %swap3A_250 = arith.constant 0 : index
    %swap3A_251 = vector.load %arg5[%swap3A_248, %swap3A_249, %swap3A_250] : memref<2x1024x320xf32, #tpu.memory_space<vmem>>, vector<1x1024x320xf32>
    %swap3A_252 = vector.shape_cast %swap3A_251 : vector<1x1024x320xf32> to vector<1024x320xf32>
    %swap3A_253 = vector.shape_cast %convert_element_type3A_247 : vector<1024x320xf32> to vector<1x1024x320xf32>
    tpu.vector_store %arg5[%swap3A_248, %swap3A_249, %swap3A_250], %swap3A_253 {strides = array<i32>} : memref<2x1024x320xf32, #tpu.memory_space<vmem>>, vector<1x1024x320xf32>,
    %broadcast_in_dim3A_254 = vector.shape_cast %or3A_243 : vector<1024x1xi1> to vector<1024x1xi1>
    %broadcast_in_dim3A_255 = vector.broadcast %broadcast_in_dim3A_254 : vector<1024x1xi1> to vector<1024x128xi1>
    %select_n3A_256 = arith.select %broadcast_in_dim3A_255, %add3A_220, %add3A_228 : vector<1024x128xi1>, vector<1024x128xf32>
    %swap3A_257 = arith.constant 0 : index
    %swap3A_258 = arith.constant 128 : index
    %swap3A_259 = vector.load %arg6[%swap3A_257, %swap3A_258] : memref<1024x256xf32, #tpu.memory_space<vmem>>, vector<1024x128xf32>
    tpu.vector_store %arg6[%swap3A_257, %swap3A_258], %select_n3A_256 {strides = array<i32>} : memref<1024x256xf32, #tpu.memory_space<vmem>>, vector<1024x128xf32>,
    %get3A_260 = arith.constant 1 : index
    %get3A_261 = arith.constant 0 : index
    %get3A_262 = vector.load %arg8[%get3A_260, %get3A_261] : memref<2x320xf32, #tpu.memory_space<vmem>>, vector<1x320xf32>
    %reduce_sum3A_263 = arith.constant dense<0.000000e+00> : vector<320xf32>
    %reduce_sum3A_264 = vector.multi_reduction <add>, %convert_element_type3A_247, %reduce_sum3A_263 [0] : vector<1024x320xf32> to vector<320xf32>
    %broadcast_in_dim3A_265 = vector.shape_cast %reduce_sum3A_264 : vector<320xf32> to vector<1x320xf32>
    %add3A_266 = arith.addf %get3A_262, %broadcast_in_dim3A_265 : vector<1x320xf32>
    %swap3A_267 = arith.constant 1 : index
    %swap3A_268 = arith.constant 0 : index
    %swap3A_269 = vector.load %arg8[%swap3A_267, %swap3A_268] : memref<2x320xf32, #tpu.memory_space<vmem>>, vector<1x320xf32>
    tpu.vector_store %arg8[%swap3A_267, %swap3A_268], %add3A_266 {strides = array<i32>} : memref<2x320xf32, #tpu.memory_space<vmem>>, vector<1x320xf32>,
    %eq3A_270 = arith.constant 15 : i32
    %eq3A_271 = arith.cmpi eq, %arg0, %eq3A_270 : i32
    %convert_element_type3A_272 = arith.extui %eq3A_271 : i1 to i32
    %cond3A_273 = arith.constant 0 : i32
    %cond3A_274 = arith.cmpi ne, %convert_element_type3A_272, %cond3A_273 : i32
    scf.if %cond3A_274 {
      %get3A_275 = arith.constant 0 : index
      %get3A_276 = arith.constant 0 : index
      %get3A_277 = vector.load %arg8[%get3A_275, %get3A_276] : memref<2x320xf32, #tpu.memory_space<vmem>>, vector<2x320xf32>
      %div3A = arith.constant 1.638400e+04 : f32
      %div3A_278 = vector.broadcast %div3A : f32 to vector<2x320xf32>
      %div3A_279 = arith.divf %get3A_277, %div3A_278 : vector<2x320xf32>
      %add3A_280 = arith.constant 1.000000e-10 : f32
      %add3A_281 = vector.broadcast %add3A_280 : f32 to vector<2x320xf32>
      %add3A_282 = arith.addf %div3A_279, %add3A_281 : vector<2x320xf32>
      %log3A = math.log %add3A_282 : vector<2x320xf32>
      %mul3A_283 = arith.mulf %div3A_279, %log3A : vector<2x320xf32>
      %reduce_sum3A_284 = arith.constant dense<0.000000e+00> : vector<2xf32>
      %reduce_sum3A_285 = vector.multi_reduction <add>, %mul3A_283, %reduce_sum3A_284 [1] : vector<2x320xf32> to vector<2xf32>
      %broadcast_in_dim3A_286 = vector.shape_cast %reduce_sum3A_285 : vector<2xf32> to vector<2x1xf32>
      %neg3A = arith.constant 0.000000e+00 : f32
      %neg3A_287 = vector.broadcast %neg3A : f32 to vector<2x1xf32>
      %neg3A_288 = arith.subf %neg3A_287, %broadcast_in_dim3A_286 : vector<2x1xf32>
      %exp3A = math.exp %neg3A_288 : vector<2x1xf32>
      %reduce_sum3A_289 = vector.shape_cast %exp3A : vector<2x1xf32> to vector<1x2x1xf32>
      %reduce_sum3A_290 = arith.constant dense<0.000000e+00> : vector<1xf32>
      %reduce_sum3A_291 = vector.multi_reduction <add>, %reduce_sum3A_289, %reduce_sum3A_290 [1, 2] : vector<1x2x1xf32> to vector<1xf32>
      %reduce_sum3A_292 = vector.shape_cast %reduce_sum3A_291 : vector<1xf32> to vector<1x1x1xf32>
      %reduce_sum3A_293 = vector.extract %reduce_sum3A_292[0, 0, 0] : f32 from vector<1x1x1xf32>
      %div3A_294 = arith.constant 2.000000e+00 : f32
      %div3A_295 = arith.divf %reduce_sum3A_293, %div3A_294 : f32
      %reshape3A = vector.broadcast %div3A_295 : f32 to vector<1x1xf32>
      %swap3A_296 = arith.constant 0 : index
      %swap3A_297 = arith.constant 0 : index
      %swap3A_298 = vector.load %arg7[%swap3A_296, %swap3A_297] : memref<1x1xf32, #tpu.memory_space<vmem>>, vector<1x1xf32>
      tpu.vector_store %arg7[%swap3A_296, %swap3A_297], %reshape3A {strides = array<i32>} : memref<1x1xf32, #tpu.memory_space<vmem>>, vector<1x1xf32>,
    } else {
    }
    return
  }
  func.func @transform_0(%arg0: i32) -> (i32, i32) {
    %c0_i32 = arith.constant 0 : i32
    %c0_i32_0 = arith.constant 0 : i32
    return %arg0, %c0_i32 : i32, i32
  }
  func.func @transform_1(%arg0: i32) -> (i32, i32, i32) {
    %c0_i32 = arith.constant 0 : i32
    %c0_i32_0 = arith.constant 0 : i32
    %c0_i32_1 = arith.constant 0 : i32
    %c0_i32_2 = arith.constant 0 : i32
    return %c0_i32, %c0_i32_0, %c0_i32_1 : i32, i32, i32
  }
  func.func @transform_2(%arg0: i32) -> (i32, i32, i32) {
    %c0_i32 = arith.constant 0 : i32
    %c0_i32_0 = arith.constant 0 : i32
    %c0_i32_1 = arith.constant 0 : i32
    %c0_i32_2 = arith.constant 0 : i32
    return %c0_i32, %c0_i32_0, %c0_i32_1 : i32, i32, i32
  }
  func.func @transform_3(%arg0: i32) -> (i32, i32, i32) {
    %c0_i32 = arith.constant 0 : i32
    %c0_i32_0 = arith.constant 0 : i32
    %c0_i32_1 = arith.constant 0 : i32
    return %c0_i32, %arg0, %c0_i32_0 : i32, i32, i32
  }
  func.func @transform_4(%arg0: i32) -> (i32, i32, i32) {
    %c0_i32 = arith.constant 0 : i32
    %c0_i32_0 = arith.constant 0 : i32
    %c0_i32_1 = arith.constant 0 : i32
    return %c0_i32, %arg0, %c0_i32_0 : i32, i32, i32
  }
  func.func @transform_5(%arg0: i32) -> (i32, i32) {
    %c0_i32 = arith.constant 0 : i32
    %c0_i32_0 = arith.constant 0 : i32
    return %arg0, %c0_i32 : i32, i32
  }
  func.func @transform_6(%arg0: i32) -> (i32, i32) {
    %c0_i32 = arith.constant 0 : i32
    %c0_i32_0 = arith.constant 0 : i32
    %c0_i32_1 = arith.constant 0 : i32
    return %c0_i32, %c0_i32_0 : i32, i32
  }
}

</mosaic_0001>

<sc_bundles>
// kernel: sparse-core-data-format-call.1.cloned.1.call-start
scs
called_computation.1_lowered:
.L_overlay_start_0:
0x0: {  	s2 =	sld [smem:$0x3FD9]  }
0x1: {  	s3 =	sld [smem:$0x3FFE];
	_ =	sdelay $0x1  }
0x2: {  	s1 =	srdreg.scid  }
0x3: {  	s0 =	sand.u32 $0x1, s1  }
0x4: {  	s15 =	sshll.u32 s0, $0xA;
	s2 =	sadd.s32 s3, s2  }
0x5: {  	s2 =	sadd.s32 s2, s15  }
0x6: {  	[smem:$0x3FC6] =	sst s2  }
0x7: {  	_ = 	snop  }
0x8: {  	s2 =	sld [smem:$0x3FD0];
	_ =	sdelay $0x2  }
0x9: {  	s16 =	simm.s32 $0xB;
	s4 =	simm.s32 $0x10  }
0xa: {  	[smem:s4], [sflag:s16] =	dma.local [hbm:s2], $0x1  }
0xb: {  	_ =	swait.eq [sflag:s16], $0x1  }
0xc: {  	[sflag:s16] =	ssyncset.done $0x0  }
0xd: {  	[sflag:s16] =	ssyncadd.s32 $0xFFFFFFFF  }
0xe: {  	s17 =	sld [smem:$0x11];
	(tm) =	ssettm $0x1  }
0xf: {  	s18 =	sld [smem:$0x3FFB];
	_ =	sdelay $0x3  }
0x10: {  	_ =	strace s18  }
0x11: {  	s3 =	sld [smem:$0x3FFC];
	_ =	sdelay $0x3  }
0x12: {  	_ =	strace s3  }
0x13: {  	s3 =	sld [smem:$0x3FFD];
	_ =	sdelay $0x3  }
0x14: {  	_ =	strace s3  }
0x15: {  	_ =	strace $0x8FFFFFFF  }
0x16: {  	s19 =	sld [smem:$0x3FDB];
	_ =	sdelay $0x1  }
0x17: {  	s20 =	simm.s32 $_scs_section_size  }
0x18: {  	s5 =	simm.s32 $_size__tile_overlayer_lowered;
	s6 =	simm.s32 $_tile_overlayer_lowered  }
0x19: {  	s23 =	simm.s32 $0x1BFF;
	s22 =	sshll.u32 s6, $0x1;
	s3 =	sadd.s32 s20, s19  }
0x1a: {  	s7 =	simm.s32 $0x0;
	s21 =	sshll.u32 s5, $0x1;
	s5 =	sadd.s32 s22, s3  }
0x1b: {  	[timem:s7], [sflag:s23] =	dma.local [hbm:s5], s21  }
0x1c: {  	_ =	swait.ge [sflag:s23], s21  }
0x1d: {  	s4 =	ssub.s32 $0x0, s21;
	[sflag:s23] =	ssyncset.done $0x0  }
0x1e: {  	[sflag:s23] =	ssyncadd.s32 s4;
	_ =	sdelay $0x1  }
0x1f: {  	s24 =	simm.s32 $0x1B8B  }
0x20: {  	_ =	swait.ge [sflag:s24], $0x1  }
0x21: {  	[sflag:s24] =	ssyncset.done $0x0  }
0x22: {  	s26 =	simm.s32 $0x1B8E;
	s25 =	sld [smem:$0x3FFE];
	[sflag:s24] =	ssyncadd.s32 $0xFFFFFFFF  }
0x23: {  	s27 =	simm.s32 $execute0_lowered;
	[smem:$0x3FD2] =	sst s26  }
0x24: {  	s5 =	sshll.u32 s27, $0x1;
	_ =	strace $0x80000046;
	[dreg:$0x1] =	wrdreg $0xFFFFFFFF  }
0x25: {  	s28 =	simm.s32 $_size_execute0_lowered;
	s3 =	sadd.s32 s3, s5;
	[dreg:$0x0] =	wrdreg $0x0  }
0x26: {  	s5 =	sshll.u32 s28, $0x1;
	[dreg:$0x2] =	wrdreg s3  }
0x27: {  	[dreg:$0x3] =	wrdreg s5  }
0x28: {  	[dreg:$0x4] =	wrdreg $0xC0  }
0x29: {  	_ =	task [dreg:s7], $0x5FFFF  }
0x2a: {  	[dreg:$0x1] =	wrdreg $0xFFFFFFFF  }
0x2b: {  	[dreg:$0x0] =	wrdreg $0x60  }
0x2c: {  	[dreg:$0x2] =	wrdreg s25  }
0x2d: {  	[dreg:$0x3] =	wrdreg s17  }
0x2e: {  	[dreg:$0x4] =	wrdreg $0xA  }
0x2f: {  	_ =	task.clear_ibuf [dreg:s7], $0x5FFFF;
	_ =	strace $0x90000046  }
0x30: {  	s29 =	simm.s32 $0xA;
	_ =	strace $0x80000048  }
0x31: {  	_ =	swait.ge [sflag:s29], $0x1  }
0x32: {  	[sflag:s29] =	ssyncadd.s32 $0xFFFFFFFF  }
0x33: {  	_ =	strace $0x90000048  }
0x34: {  	_ =	sfence  }
0x35: {  	s30 =	sld [smem:$0x0];
	_ =	sdelay $0x2  }
0x36: {  	s31 =	sshll.u32 s1, $0xD;
	s1 =	sshrl.u32 s1, $0x2  }
0x37: {  	s3 =	sand.u32 $0x4000, s31;
	s1 =	sadd.s32 s1, s30  }
0x38: {  	s0 =	sor.u32 s3, s0;
	s1 =	sshll.u32 s1, $0x11  }
0x39: {  	s0 =	sor.u32 s1, s0  }
0x3a: {  	s0 =	sadd.s32 $0x8F2B, s0  }
0x3b: {  	[sflag:s0] =	ssyncadd.remote.s32 $0x1  }
0x3c: {  	_ =	sfence.sel $0xFFFF  }
0x3d: {  	[dreg:$0x0] =	wrdreg $0xFFFFFFFF;
	(pc) =	sbr.abs _section_cstart, $3  }
0x3e: {  	[dreg:$0x1] =	wrdreg $0xFFFFFFFF  }
0x3f: {  	_ =	task.clear_ibuf [dreg:s7], $0x2FFFF;
	_ =	strace $0x9FFFFFFF  }
0x40: {  	(tm) =	ssettm $0x7FFFFFFF  }
0x41: {  	_ =	shalt  }
tec
execute0_lowered:
.L_overlay_start_1:
0x0: {  	(tag) =	ssettag $0x1  }
0x1: {  	s1 =	srdreg.scid  }
0x2: {  	s0 =	stileid.u32;
	s7 =	rddreg [dreg:$0x0];
	_ =	strace $0x80000047  }
0x3: {  	s9 =	simm.s32 $0x2;
	s21 =	simm.s32 $0x0;
	s2 =	sshll.u32 s1, $0x7  }
0x4: {  	p0 =	por $0x0, $0x0;
	s1 =	sand.u32 $0x1, s0;
	s2 =	sand.u32 $0x80, s2  }
0x5: {  	s20 =	simm.s32 $0x0;
	s3 =	ssub.s32 $0x2, s1;
	s4 =	ssub.s32 $0x800, s2  }
0x6: {  	s22 =	simm.s32 $0x0;
	s5 =	sshrl.u32 s3, $0x1;
	s6 =	sshrl.u32 s4, $0x7  }
0x7: {  	s3 =	sand.u32 $0x1, s3;
	s4 =	sshrl.u32 s4, $0x8;
	s6 =	sand.u32 $0x1, s6  }
0x8: {  	s23 =	simm.s32 $0x0;
	s3 =	sadd.s32 s3, s5;
	s31 =	sadd.s32 s4, s6  }
0x9: {  	s11 =	simm.s32 $0x0;
	s12 =	simm.s32 $0x0;
	s6 =	smul.u32 s31, s3  }
.Ltmp0:
0xa: {  	s14 =	simm.s32 $0x0;
	s15 =	simm.s32 $0x0;
	(pc) =	sbr.rel .LBB1_1-.Ltmp0, $4  }
0xb: {  	s19 =	simm.s32 $0x0;
	s7 =	sadd.s32 $0xE00, s7;
	s8 =	sshrl.u32 s0, $0x1  }
0xc: {  	s17 =	smov.u32 s8;
	s5 =	simm.s32 $0x1;
	s6 =	smul.u32 $0x3, s6  }
0xd: {  	s18 =	smov.u32 s1;
	s16 =	smov.u32 s2;
	[sflag:s5] =	ssyncpa.u1 $0x0  }
0xe: {  	[sflag:s9] =	ssyncpa.u1 $0x0;
	s3 =	simm.s32 $0x0;
	s9 =	sadd.s32 $0x1, s6  }
.LBB1_4:
0xf: {  	v5 =	vld [tilespmem:s25+$0xFFFFFFD0]  }
0x10: {  	v58 =	vld [tilespmem:s25+$0xFFFFFFE0]  }
0x11: {  	v59 =	vld [tilespmem:s25+$0xFFFFFFF0]  }
0x12: {  	v60 =	vld [tilespmem:s25+$0x0]  }
0x13: {  	s28 =	sshra.s32 s28, $0x2;
	s10 =	sand.u32 $0x78, s12;
	v61 =	vld [tilespmem:s25+$0x10]  }
0x14: {  	s29 =	sshll.u32 s11, $0xB;
	s30 =	sshll.u32 s12, $0x3;
	p1 =	sgt.s32 s14, $0x1;
	v62 =	vld [tilespmem:s25+$0x20]  }
0x15: {  	s13 =	sshra.s32 s14, $0x1F;
	s0 =	sshra.s32 s3, $0x1F;
	v63 =	vld [tilespmem:s25+$0xFFFFFFC0];
	s25 =	smul.u32 $0xA0000, s14  }
0x16: {  	s27 =	sadd.s32 s28, s27;
	s29 =	sand.u32 $0xFFFFC000, s29;
	s31 =	sand.u32 $0xFFFFFC00, s30  }
0x17: {  	s30 =	sand.u32 $0x400, s30;
	s0 =	sand.u32 s0, s3;
	s29 =	sadd.s32 s31, s29  }
0x18: {  	s28 =	sor.u32 s10, s30;
	s30 =	smov.u32 s14;
	s31 =	sand.u32 s13, s14  }
0x19: {  	s13 =	smov.u32 s3;
	s10 =	sshra.s32 s12, $0x1F;
	s29 =	sshrl.u32 s29, $0xB  }
0x1a: {  	s30 =	simm.s32 @!p1 $0x1;
	p1 =	sgt.s32 s3, $0x7;
	s31 =	sxor.u32 $0xFFFFFFFF, s31  }
0x1b: {  	s13 =	simm.s32 @!p1 $0x7;
	s4 =	smulhi.u32 $0xCCCCCD, s29;
	s30 =	sadd.s32 s31, s30  }
0x1c: {  	s0 =	ssub.s32 s13, s0;
	p1 =	sgt.s32 s30, $0x0;
	s13 =	ssub.s32 $0x1, s30  }
0x1d: {  	s30 =	smov.u32 s12;
	s31 =	sadd.s32 $0xFFFFFFF9, s0;
	s13 =	simm.s32 @p1 $0x0  }
0x1e: {  	s0 =	ssub.s32 $0x8, s0;
	s4 =	smul.u32 $0x140, s4;
	p1 =	sgt.s32 s31, $0x0  }
0x1f: {  	s31 =	smov.u32 s11;
	s0 =	simm.s32 @p1 $0x0;
	p1 =	sgt.s32 s12, $0x780  }
0x20: {  	[tilespmem:s26+$0x2040 ss:$0x81] =	vst.msk $0xffff, v4;
	s4 =	ssub.s32 s29, s4;
	s0 =	smul.u32 s13, s0;
	s30 =	simm.s32 @!p1 $0x780  }
0x21: {  	[tilespmem:s26+$0x2850 ss:$0x81] =	vst.msk $0xffff, v3;
	s13 =	sand.u32 s10, s12;
	p1 =	sgt.s32 s11, $0xC0;
	s10 =	sshra.s32 s11, $0x1F  }
0x22: {  	[tilespmem:s26+$0x3060 ss:$0x81] =	vst.msk $0xffff, v2;
	s13 =	ssub.s32 s30, s13;
	s31 =	simm.s32 @!p1 $0xC0;
	s10 =	sand.u32 s10, s11  }
0x23: {  	[tilespmem:s26+$0x0 ss:$0x81] =	vst.msk $0xffff, v1;
	s4 =	sshll.u32 s4, $0x8;
	s30 =	sadd.s32 $0xFFFFF880, s13;
	s10 =	ssub.s32 s31, s10  }
0x24: {  	[tilespmem:s27+$0x3870 ss:$0x81] =	vst.msk $0xffff, v0;
	s13 =	ssub.s32 $0x800, s13;
	p1 =	sgt.s32 s30, $0x7F;
	s30 =	sshll.u32 s11, $0x7  }
0x25: {  	[tilespmem:s27+$0x810 ss:$0x81] =	vst.msk $0xffff, v5;
	s31 =	sadd.s32 $0xFFFFFF40, s10;
	s10 =	ssub.s32 $0x140, s10;
	s13 =	simm.s32 @p1 $0x0  }
0x26: {  	[tilespmem:s27+$0x1020 ss:$0x81] =	vst.msk $0xffff, v58;
	s26 =	sand.u32 $0x380, s30;
	p1 =	sgt.s32 s31, $0x7F;
	s0 =	smul.u32 s13, s0  }
0x27: {  	[tilespmem:s27+$0x1830 ss:$0x81] =	vst.msk $0xffff, v59;
	s30 =	smul.u32 $0x14000, s3;
	s31 =	rddreg [dreg:$0x1];
	s10 =	simm.s32 @p1 $0x0  }
0x28: {  	[tilespmem:s27+$0x2040 ss:$0x81] =	vst.msk $0xffff, v60;
	s28 =	sor.u32 s26, s28;
	s0 =	smul.u32 s10, s0;
	s10 =	sadd.s32 s31, s25  }
0x29: {  	[tilespmem:s27+$0x2850 ss:$0x81] =	vst.msk $0xffff, v61;
	s25 =	sshrl.u32 s28, $0x3;
	s28 =	sand.u32 $0x7, s12;
	s10 =	sadd.s32 s30, s10  }
0x2a: {  	[tilespmem:s27+$0x3060 ss:$0x81] =	vst.msk $0xffff, v62;
	s31 =	simm.s32 $0x4000;
	s29 =	sshll.u32 s28, $0x12;
	s10 =	sadd.s32 s25, s10  }
0x2b: {  	[tilespmem:s27+$0x0 ss:$0x81] =	vst.msk $0xffff, v63;
	s0 =	sand.u32 $0x3FFFFFFF, s0;
	s30 =	sor.u32 $0x400, s29;
	s4 =	sadd.s32 s4, s10  }
0x2c: {  	[hbm4b:s4+s30] =	stream.strided.scatter [tilespmem:s24], [sflag:$0x2], s0, s31, s30, $0x20;
	[tilespmem:$0x10100] =	vst v63  }
.LBB1_5:
0x2d: {  	p1 =	slt.u32 s19, $0x2  }
0x2e: {  	s4 =	smov.u32 s23;
	s13 =	smov.u32 s21;
	s24 =	smov.u32 s16  }
0x2f: {  	s25 =	smov.u32 s17;
	p0 =	por !p0, !p0;
	p2 =	sgt.s32 @!p1 s23, $0x1  }
0x30: {  	s0 =	sshra.s32 @!p1 s23, $0x1F;
	s10 =	sshra.s32 @!p1 s22, $0x1F;
	p4 =	sgt.s32 @!p1 s20, $0x780  }
0x31: {  	p2 =	por !p2, p1;
	s0 =	sand.u32 @!p1 s0, s23;
	s10 =	sand.u32 @!p1 s10, s22  }
0x32: {  	s4 =	simm.s32 @p2 $0x1;
	s0 =	sxor.u32 @!p1 $0xFFFFFFFF, s0;
	p2 =	sgt.s32 @!p1 s22, $0x7  }
0x33: {  	s0 =	sadd.s32 @!p1 s0, s4;
	p2 =	por !p2, p1;
	s4 =	smov.u32 s22  }
0x34: {  	s23 =	smov.u32 s14;
	p3 =	sgt.s32 @!p1 s0, $0x0;
	s4 =	simm.s32 @p2 $0x7  }
0x35: {  	s0 =	ssub.s32 @!p1 $0x1, s0;
	p2 =	por !p3, p1;
	s4 =	ssub.s32 @!p1 s4, s10  }
0x36: {  	s14 =	smov.u32 s18;
	s0 =	simm.s32 @!p2 $0x0;
	s10 =	sadd.s32 @!p1 $0xFFFFFFF9, s4  }
0x37: {  	p2 =	sgt.s32 @!p1 s21, $0xC0;
	p3 =	sgt.s32 @!p1 s10, $0x0;
	s10 =	sshra.s32 @!p1 s21, $0x1F  }
0x38: {  	s4 =	ssub.s32 @!p1 $0x8, s4;
	p2 =	por !p2, p1;
	s10 =	sand.u32 @!p1 s10, s21  }
0x39: {  	s21 =	sshra.s32 @!p1 s20, $0x1F;
	s13 =	simm.s32 @p2 $0xC0;
	p2 =	por !p4, p1  }
0x3a: {  	p3 =	por !p3, p1;
	s21 =	sand.u32 @!p1 s21, s20;
	s20 =	simm.s32 @p2 $0x780  }
0x3b: {  	s4 =	simm.s32 @!p3 $0x0;
	s10 =	ssub.s32 @!p1 s13, s10;
	s13 =	ssub.s32 @!p1 s20, s21  }
0x3c: {  	s0 =	smul.u32 @!p1 s0, s4;
	s4 =	sadd.s32 @!p1 $0xFFFFFF40, s10;
	s20 =	sadd.s32 @!p1 $0xFFFFF880, s13  }
0x3d: {  	p2 =	sgt.s32 @!p1 s4, $0x7F;
	s4 =	ssub.s32 @!p1 $0x140, s10;
	p3 =	sgt.s32 @!p1 s20, $0x7F  }
0x3e: {  	s10 =	ssub.s32 @!p1 $0x800, s13;
	s13 =	sadd.s32 $0x80, s15;
	p3 =	por !p3, p1  }
0x3f: {  	s20 =	sadd.s32 $0x100, s16;
	s10 =	simm.s32 @!p3 $0x0;
	p3 =	sgt.s32 s13, $0x13F  }
0x40: {  	p2 =	por !p2, p1;
	s0 =	smul.u32 @!p1 s10, s0;
	s24 =	smov.u32 @p3 s20  }
0x41: {  	s4 =	simm.s32 @!p2 $0x0;
	s10 =	sadd.s32 $0x8, s17;
	p2 =	sgt.s32 s24, $0x7FF  }
0x42: {  	s13 =	simm.s32 @p3 $0x0;
	s0 =	smul.u32 @!p1 s4, s0;
	s25 =	smov.u32 @p2 s10  }
0x43: {  	s4 =	sadd.s32 $0x2, s18;
	s10 =	smov.u32 s18;
	p3 =	sgt.s32 s25, $0x7  }
0x44: {  	s22 =	smov.u32 s3;
	s3 =	smov.u32 s17;
	s10 =	smov.u32 @p3 s4  }
0x45: {  	s21 =	smov.u32 s11;
	s24 =	smov.u32 @p2 s2;
	p2 =	sgt.s32 s10, $0x1  }
0x46: {  	s11 =	smov.u32 s15;
	s10 =	smov.u32 @p2 s1;
	p2 =	sne.s32 s19, s9  }
.Ltmp1:
0x47: {  	s20 =	smov.u32 s12;
	s12 =	smov.u32 s16;
	(pc) =	sbr.rel @!p2 .LBB1_6-.Ltmp1, $4  }
0x48: {  	s15 =	smov.u32 s13;
	s0 =	sand.u32 @!p1 $0x3FFFFFFF, s0;
	s4 =	simm.s32 @!p1 $0x2  }
0x49: {  	s16 =	smov.u32 s24;
	s25 =	smov.u32 @p3 s8;
	_ =	swait.ge @!p1 [sflag:s4], s0  }
0x4a: {  	s0 =	ssub.s32 @!p1 $0x0, s0;
	s17 =	smov.u32 s25;
	[sflag:s4] =	ssyncset.done @!p1 $0x0  }
0x4b: {  	s19 =	sadd.s32 $0x1, s19;
	[sflag:s4] =	ssyncadd.s32 @!p1 s0;
	s18 =	smov.u32 s10  }
.LBB1_1:
0x4c: {  	p1 =	sge.u32 s19, s6  }
0x4d: {  	s24 =	sshrl.u32 @!p1 s16, $0x3  }
0x4e: {  	s25 =	sshll.u32 @!p1 s15, $0x3;
	s24 =	smul.u32 @!p1 $0xC00, s24  }
0x4f: {  	s26 =	sshll.u32 @!p1 s16, $0x7;
	s25 =	sand.u32 @!p1 $0xFFFFFC00, s25  }
0x50: {  	s24 =	sadd.s32 @!p1 s24, s25;
	s25 =	sand.u32 @!p1 $0x380, s26  }
0x51: {  	s26 =	sand.u32 @!p1 $0x7F, s15;
	s24 =	sor.u32 @!p1 s25, s24  }
0x52: {  	s25 =	sor.u32 @!p1 s26, s24  }
0x53: {  	s26 =	smulhi.u32 @!p1 $0xAAAAAAAB, s25  }
0x54: {  	s24 =	smulhi.u32 @!p1 $0xAAAAAAAB, s24  }
0x55: {  	s31 =	sadd.s32 $0xFFFFFFFF, s19;
	s28 =	smul.u32 @!p1 $0xC0000, s18;
	s26 =	sshrl.u32 @!p1 s26, $0x8  }
0x56: {  	s27 =	sxor.u32 @!p1 $0xFFFFFFFF, s19;
	s24 =	sshrl.u32 @!p1 s24, $0x8;
	s26 =	smul.u32 @!p1 $0x180, s26  }
0x57: {  	s29 =	smul.u32 @!p1 $0x18000, s17;
	s27 =	sshll.u32 @!p1 s27, $0xE;
	s24 =	sand.u32 @!p1 $0x7FF, s24  }
0x58: {  	s24 =	smul.u32 @!p1 $0x30, s24;
	s25 =	ssub.s32 @!p1 s25, s26;
	s26 =	sadd.s32 @!p1 s7, s28  }
0x59: {  	s27 =	sand.u32 @!p1 $0x4000, s27;
	s26 =	sadd.s32 @!p1 s29, s26;
	s28 =	sand.u32 @!p1 $0x7, s25  }
0x5a: {  	s25 =	sshrl.u32 @!p1 s25, $0x3;
	s24 =	sadd.s32 @!p1 s24, s26;
	s26 =	sshll.u32 @!p1 s28, $0x12  }
0x5b: {  	s24 =	sadd.s32 @!p1 s25, s24;
	s25 =	sor.u32 @!p1 $0x400, s26;
	s26 =	simm.s32 @!p1 $0xC00  }
0x5c: {  	[tilespmem:s27], [sflag:$0x1] =	stream.strided.gather @!p1 [hbm4b:s24+s25], $0x4000, s26, s25, $0x38;
	[tilespmem:$0x10100] =	vst v63  }
0x5d: {  	p1 =	sge.u32 s31, s6  }
.Ltmp2:
0x5e: {  	_ = 	snop;
	(pc) =	sbr.rel @p1 .LBB1_5-.Ltmp2, $1  }
0x5f: {  	_ =	sdelay $0x3  }
0x60: {  	s24 =	simm.s32 $0x1  }
0x61: {  	_ =	swait.ge [sflag:s5], $0x4000;
	s24 =	simm.s32 @!p0 $0x0  }
0x62: {  	[sflag:s5] =	ssyncset.done $0x0;
	s25 =	sshll.u32 s24, $0xE  }
0x63: {  	[sflag:s5] =	ssyncadd.s32 $0xFFFFC000;
	s25 =	sor.u32 $0x40, s25  }
0x64: {  	s24 =	smul.u32 $0x10200, s24;
	v0 =	vld [tilespmem:s25+$0x30]  }
0x65: {  	v1 =	vld [tilespmem:s25+$0xFFFFFFD0]  }
0x66: {  	s24 =	sshrl.u32 s24, $0x2;
	v5 =	vld [tilespmem:s25+$0xFFFFFFE0]  }
0x67: {  	v6 =	vld [tilespmem:s25+$0xFFFFFFF0];
	s27 =	sor.u32 $0x8000, s24  }
0x68: {  	s31 =	sand.u32 $0x1, s19;
	v4 =	vld [tilespmem:s25+$0x0];
	s26 =	sadd.s32 $0x0, s27  }
0x69: {  	v3 =	vld [tilespmem:s25+$0x10];
	s24 =	smul.u32 $0x10200, s31;
	[tilespmem:s26+$0x3870 ss:$0x81] =	vst.msk $0xffff, v0  }
0x6a: {  	v2 =	vld [tilespmem:s25+$0x20];
	[tilespmem:s26+$0x810 ss:$0x81] =	vst.msk $0xffff, v1  }
0x6b: {  	s24 =	sshrl.u32 s24, $0x2;
	v1 =	vld [tilespmem:s25+$0xFFFFFFC0];
	[tilespmem:s26+$0x1020 ss:$0x81] =	vst.msk $0xffff, v5;
	s25 =	sadd.s32 $0x80, s25  }
0x6c: {  	s28 =	simm.s32 $0x4;
	s29 =	simm.s32 $0x8;
	s24 =	sor.u32 $0x8000, s24;
	[tilespmem:s26+$0x1830 ss:$0x81] =	vst.msk $0xffff, v6;
	v0 =	vld [tilespmem:s25+$0x30]  }
.LBB1_3:
0x6d: {  	p1 =	sne.s32 s29, $0x1FC;
	v5 =	vld [tilespmem:s25+$0xFFFFFFD0];
	[tilespmem:s26+$0x2040 ss:$0x81] =	vst.msk $0xffff, v4  }
0x6e: {  	v6 =	vld [tilespmem:s25+$0xFFFFFFE0];
	[tilespmem:s26+$0x2850 ss:$0x81] =	vst.msk $0xffff, v3  }
0x6f: {  	s30 =	sshra.s32 s28, $0x2;
	s28 =	smov.u32 s29;
	v7 =	vld [tilespmem:s25+$0xFFFFFFF0];
	[tilespmem:s26+$0x3060 ss:$0x81] =	vst.msk $0xffff, v2  }
.Ltmp3:
0x70: {  	v4 =	vld [tilespmem:s25+$0x0];
	[tilespmem:s26+$0x0 ss:$0x81] =	vst.msk $0xffff, v1;
	s26 =	sadd.s32 s30, s27;
	(pc) =	sbr.rel @p1 .LBB1_3-.Ltmp3, $4  }
0x71: {  	v3 =	vld [tilespmem:s25+$0x10];
	[tilespmem:s26+$0x3870 ss:$0x81] =	vst.msk $0xffff, v0  }
0x72: {  	[tilespmem:s26+$0x810 ss:$0x81] =	vst.msk $0xffff, v5;
	v2 =	vld [tilespmem:s25+$0x20]  }
0x73: {  	v1 =	vld [tilespmem:s25+$0xFFFFFFC0];
	[tilespmem:s26+$0x1020 ss:$0x81] =	vst.msk $0xffff, v6;
	s25 =	sadd.s32 $0x80, s25  }
0x74: {  	s29 =	sadd.s32 $0x4, s29;
	v0 =	vld [tilespmem:s25+$0x30];
	[tilespmem:s26+$0x1830 ss:$0x81] =	vst.msk $0xffff, v7  }
.Ltmp4:
0x75: {  	_ = 	snop;
	(pc) =	sbr.rel .LBB1_4-.Ltmp4, $1  }
0x76: {  	_ =	sdelay $0x3  }
.LBB1_6:
0x77: {  	_ =	sfence.sel $0x180000  }
0x78: {  	s0 =	simm.s32 $0x1;
	[bflag:$0x0] =	sbarrier.arrive $0xFFFF  }
0x79: {  	s30 =	simm.s32 $0x2;
	[sflag:s0] =	ssyncpa.u1 $0x1  }
0x7a: {  	[sflag:s30] =	ssyncpa.u1 $0x1  }
0x7b: {  	_ =	strace $0x90000047  }
0x7c: {  	s31 =	stileid.u32;
	[bflag:$0x2] =	sbarrier.arrive $0xFFFF  }
0x7d: {  	p0 =	sne.s32 s31, $0x0;
	s0 =	rddreg [dreg:$0x2]  }
0x7e: {  	s0 =	sadd.s32 @!p0 $0x100000, s0  }
0x7f: {  	[sflag:s0] =	ssyncadd.tile.s32 @!p0 $0x1;
	_ =	shalt  }
.Lfunc_end1:
_tile_overlayer_lowered:
.L_overlay_start_2:
0x80: {  	(tag) =	ssettag $0x2  }
0x81: {  	s0 =	rddreg [dreg:$0x0];
	s2 =	stileid.u32  }
0x82: {  	s1 =	rddreg [dreg:$0x1];
	p0 =	sne.s32 s2, $0x0  }
0x83: {  	s3 =	rddreg [dreg:$0x2];
	[bflag:$0x3] =	sbarrier.arrive $0xFFFF;
	s2 =	simm.s32 @!p0 $0x1C01  }
0x84: {  	[timem:s3], [sflag:s2] =	dma.local @!p0 [hbm:s0], s1  }
0x85: {  	s0 =	simm.s32 @!p0 $0x1  }
0x86: {  	_ =	swait.ge @!p0 [sflag:s0], s1  }
0x87: {  	s1 =	ssub.s32 @!p0 $0x0, s1;
	[sflag:s0] =	ssyncset.done @!p0 $0x0  }
0x88: {  	[sflag:s0] =	ssyncadd.s32 @!p0 s1  }
0x89: {  	[bflag:$0x3] =	sbarrier.arrive $0xFFFF  }
0x8a: {  	_ =	shalt  }

// kernel: sparse-core-data-format-call.cloned.1.call-start
scs
called_computation_lowered:
.L_overlay_start_0:
0x0: {  	s2 =	sld [smem:$0x3FD9]  }
0x1: {  	s3 =	sld [smem:$0x3FFE];
	_ =	sdelay $0x1  }
0x2: {  	s1 =	srdreg.scid  }
0x3: {  	s0 =	sand.u32 $0x1, s1  }
0x4: {  	s16 =	sshll.u32 s0, $0xA;
	s2 =	sadd.s32 s3, s2  }
0x5: {  	s2 =	sadd.s32 s2, s16  }
0x6: {  	[smem:$0x3FC6] =	sst s2  }
0x7: {  	_ = 	snop  }
0x8: {  	s2 =	sld [smem:$0x3FD0];
	_ =	sdelay $0x2  }
0x9: {  	s17 =	simm.s32 $0xB;
	s4 =	simm.s32 $0x10  }
0xa: {  	[smem:s4], [sflag:s17] =	dma.local [hbm:s2], $0x1  }
0xb: {  	_ =	swait.eq [sflag:s17], $0x1  }
0xc: {  	[sflag:s17] =	ssyncset.done $0x0  }
0xd: {  	[sflag:s17] =	ssyncadd.s32 $0xFFFFFFFF  }
0xe: {  	s18 =	sld [smem:$0x12];
	(tm) =	ssettm $0x1  }
0xf: {  	s19 =	sld [smem:$0x3FFB];
	_ =	sdelay $0x3  }
0x10: {  	_ =	strace s19  }
0x11: {  	s2 =	sld [smem:$0x3FFC];
	_ =	sdelay $0x3  }
0x12: {  	_ =	strace s2  }
0x13: {  	s2 =	sld [smem:$0x3FFD];
	_ =	sdelay $0x3  }
0x14: {  	_ =	strace s2  }
0x15: {  	_ =	strace $0x8FFFFFFF  }
0x16: {  	s20 =	sld [smem:$0x3FDB];
	_ =	sdelay $0x1  }
0x17: {  	s21 =	simm.s32 $_scs_section_size  }
0x18: {  	s5 =	simm.s32 $_size__tile_overlayer_lowered;
	s6 =	simm.s32 $_tile_overlayer_lowered  }
0x19: {  	s7 =	simm.s32 $0x1BFF;
	s22 =	sshll.u32 s6, $0x1;
	s4 =	sadd.s32 s21, s20  }
0x1a: {  	s23 =	simm.s32 $0x0;
	s5 =	sshll.u32 s5, $0x1;
	s6 =	sadd.s32 s22, s4  }
0x1b: {  	[timem:s23], [sflag:s7] =	dma.local [hbm:s6], s5  }
0x1c: {  	_ =	swait.ge [sflag:s7], s5  }
0x1d: {  	s5 =	ssub.s32 $0x0, s5;
	[sflag:s7] =	ssyncset.done $0x0  }
0x1e: {  	[sflag:s7] =	ssyncadd.s32 s5;
	_ =	sdelay $0x1  }
0x1f: {  	s24 =	simm.s32 $0x1B8B  }
0x20: {  	_ =	swait.ge [sflag:s24], $0x1  }
0x21: {  	[sflag:s24] =	ssyncset.done $0x0  }
0x22: {  	[sflag:s24] =	ssyncadd.s32 $0xFFFFFFFF  }
0x23: {  	s5 =	sld [smem:$0x0]  }
0x24: {  	s6 =	sand.u32 $0xFFFFFFFE, s1  }
0x25: {  	p0 =	sne.s32 s1, s6  }
0x26: {  	s6 =	sshll.u32 @p0 s6, $0xE  }
0x27: {  	s6 =	sadd.s32 @p0 $0x11B8D, s6;
	s7 =	sshll.u32 @p0 s5, $0x11  }
0x28: {  	s6 =	sor.u32 @p0 s7, s6  }
0x29: {  	[sflag:s6] =	ssyncadd.remote.s32 @p0 $0x1;
	_ =	sdelay $0x1  }
0x2a: {  	s6 =	simm.s32 @p0 $0x1B8D  }
0x2b: {  	_ =	swait.eq @p0 [sflag:s6], $0x1  }
0x2c: {  	[sflag:s6] =	ssyncadd.s32 @p0 $0xFFFFFFFF  }
0x2d: {  	s7 =	sshll.u32 @!p0 s1, $0xE  }
0x2e: {  	s7 =	sor.u32 @!p0 $0x4000, s7;
	s6 =	simm.s32 @!p0 $0x1B8D  }
0x2f: {  	s5 =	sshll.u32 @!p0 s5, $0x11;
	s7 =	sadd.s32 @!p0 $0x11B8D, s7;
	_ =	swait.eq @!p0 [sflag:s6], $0x1  }
0x30: {  	s5 =	sor.u32 @!p0 s5, s7;
	[sflag:s6] =	ssyncadd.s32 @!p0 $0xFFFFFFFF  }
0x31: {  	s26 =	simm.s32 $0x1B8E;
	s25 =	sld [smem:$0x3FFE];
	[sflag:s5] =	ssyncadd.remote.s32 @!p0 $0x1  }
0x32: {  	s27 =	simm.s32 $execute0_lowered;
	[smem:$0x3FD2] =	sst s26  }
0x33: {  	s6 =	sshll.u32 s27, $0x1;
	_ =	strace $0x80000049;
	[dreg:$0x1] =	wrdreg $0xFFFFFFFF  }
0x34: {  	s28 =	simm.s32 $_size_execute0_lowered;
	s4 =	sadd.s32 s4, s6;
	[dreg:$0x0] =	wrdreg $0x0  }
0x35: {  	s6 =	sshll.u32 s28, $0x1;
	[dreg:$0x2] =	wrdreg s4  }
0x36: {  	[dreg:$0x3] =	wrdreg s6  }
0x37: {  	[dreg:$0x4] =	wrdreg $0xC0  }
0x38: {  	_ =	task [dreg:s23], $0x5FFFF  }
0x39: {  	[dreg:$0x1] =	wrdreg $0xFFFFFFFF  }
0x3a: {  	[dreg:$0x0] =	wrdreg $0x60  }
0x3b: {  	[dreg:$0x2] =	wrdreg s25  }
0x3c: {  	[dreg:$0x3] =	wrdreg s18  }
0x3d: {  	[dreg:$0x4] =	wrdreg $0x9  }
0x3e: {  	_ =	task.clear_ibuf [dreg:s23], $0x5FFFF;
	_ =	strace $0x90000049  }
0x3f: {  	s29 =	simm.s32 $0x9;
	_ =	strace $0x8000004B  }
0x40: {  	_ =	swait.ge [sflag:s29], $0x1  }
0x41: {  	[sflag:s29] =	ssyncadd.s32 $0xFFFFFFFF  }
0x42: {  	_ =	strace $0x9000004B  }
0x43: {  	_ =	sfence  }
0x44: {  	s30 =	sld [smem:$0x0];
	_ =	sdelay $0x2  }
0x45: {  	s31 =	sshll.u32 s1, $0xD;
	s1 =	sshrl.u32 s1, $0x2  }
0x46: {  	s4 =	sand.u32 $0x4000, s31;
	s1 =	sadd.s32 s1, s30  }
0x47: {  	s0 =	sor.u32 s4, s0;
	s1 =	sshll.u32 s1, $0x11  }
0x48: {  	s0 =	sor.u32 s1, s0  }
0x49: {  	s0 =	sadd.s32 $0x8F2B, s0  }
0x4a: {  	[sflag:s0] =	ssyncadd.remote.s32 $0x1  }
0x4b: {  	_ =	sfence.sel $0xFFFF  }
0x4c: {  	[dreg:$0x0] =	wrdreg $0xFFFFFFFF;
	(pc) =	sbr.abs _section_cstart, $3  }
0x4d: {  	[dreg:$0x1] =	wrdreg $0xFFFFFFFF  }
0x4e: {  	_ =	task.clear_ibuf [dreg:s23], $0x2FFFF;
	_ =	strace $0x9FFFFFFF  }
0x4f: {  	(tm) =	ssettm $0x7FFFFFFF  }
tec
execute0_lowered:
.L_overlay_start_1:
0x0: {  	(tag) =	ssettag $0x1  }
0x1: {  	s1 =	srdreg.scid  }
0x2: {  	s0 =	stileid.u32;
	s7 =	rddreg [dreg:$0x0];
	_ =	strace $0x8000004A  }
0x3: {  	s9 =	simm.s32 $0x2;
	s21 =	simm.s32 $0x0;
	s2 =	sshll.u32 s1, $0x7  }
0x4: {  	p0 =	por $0x0, $0x0;
	s1 =	sand.u32 $0x1, s0;
	s2 =	sand.u32 $0x80, s2  }
0x5: {  	s20 =	simm.s32 $0x0;
	s3 =	ssub.s32 $0x2, s1;
	s4 =	ssub.s32 $0x800, s2  }
0x6: {  	s22 =	simm.s32 $0x0;
	s5 =	sshrl.u32 s3, $0x1;
	s6 =	sshrl.u32 s4, $0x7  }
0x7: {  	s3 =	sand.u32 $0x1, s3;
	s4 =	sshrl.u32 s4, $0x8;
	s6 =	sand.u32 $0x1, s6  }
0x8: {  	s23 =	simm.s32 $0x0;
	s3 =	sadd.s32 s3, s5;
	s31 =	sadd.s32 s4, s6  }
0x9: {  	s11 =	simm.s32 $0x0;
	s12 =	simm.s32 $0x0;
	s6 =	smul.u32 s31, s3  }
.Ltmp0:
0xa: {  	s14 =	simm.s32 $0x0;
	s15 =	simm.s32 $0x0;
	(pc) =	sbr.rel .LBB1_1-.Ltmp0, $4  }
0xb: {  	s19 =	simm.s32 $0x0;
	s7 =	sadd.s32 $0x180E00, s7;
	s8 =	sshrl.u32 s0, $0x1  }
0xc: {  	s17 =	smov.u32 s8;
	s5 =	simm.s32 $0x1;
	s6 =	smul.u32 $0x3, s6  }
0xd: {  	s18 =	smov.u32 s1;
	s16 =	smov.u32 s2;
	[sflag:s5] =	ssyncpa.u1 $0x0  }
0xe: {  	[sflag:s9] =	ssyncpa.u1 $0x0;
	s3 =	simm.s32 $0x0;
	s9 =	sadd.s32 $0x1, s6  }
.LBB1_4:
0xf: {  	v5 =	vld [tilespmem:s25+$0xFFFFFFD0]  }
0x10: {  	v58 =	vld [tilespmem:s25+$0xFFFFFFE0]  }
0x11: {  	v59 =	vld [tilespmem:s25+$0xFFFFFFF0]  }
0x12: {  	v60 =	vld [tilespmem:s25+$0x0]  }
0x13: {  	s28 =	sshra.s32 s28, $0x2;
	s10 =	sand.u32 $0x78, s12;
	v61 =	vld [tilespmem:s25+$0x10]  }
0x14: {  	s29 =	sshll.u32 s11, $0xB;
	s30 =	sshll.u32 s12, $0x3;
	p1 =	sgt.s32 s14, $0x1;
	v62 =	vld [tilespmem:s25+$0x20]  }
0x15: {  	s13 =	sshra.s32 s14, $0x1F;
	s0 =	sshra.s32 s3, $0x1F;
	v63 =	vld [tilespmem:s25+$0xFFFFFFC0];
	s25 =	smul.u32 $0xA0000, s14  }
0x16: {  	s27 =	sadd.s32 s28, s27;
	s29 =	sand.u32 $0xFFFFC000, s29;
	s31 =	sand.u32 $0xFFFFFC00, s30  }
0x17: {  	s30 =	sand.u32 $0x400, s30;
	s0 =	sand.u32 s0, s3;
	s29 =	sadd.s32 s31, s29  }
0x18: {  	s28 =	sor.u32 s10, s30;
	s30 =	smov.u32 s14;
	s31 =	sand.u32 s13, s14  }
0x19: {  	s13 =	smov.u32 s3;
	s10 =	sshra.s32 s12, $0x1F;
	s29 =	sshrl.u32 s29, $0xB  }
0x1a: {  	s30 =	simm.s32 @!p1 $0x1;
	p1 =	sgt.s32 s3, $0x7;
	s31 =	sxor.u32 $0xFFFFFFFF, s31  }
0x1b: {  	s13 =	simm.s32 @!p1 $0x7;
	s4 =	smulhi.u32 $0xCCCCCD, s29;
	s30 =	sadd.s32 s31, s30  }
0x1c: {  	s0 =	ssub.s32 s13, s0;
	p1 =	sgt.s32 s30, $0x0;
	s13 =	ssub.s32 $0x1, s30  }
0x1d: {  	s30 =	smov.u32 s12;
	s31 =	sadd.s32 $0xFFFFFFF9, s0;
	s13 =	simm.s32 @p1 $0x0  }
0x1e: {  	s0 =	ssub.s32 $0x8, s0;
	s4 =	smul.u32 $0x140, s4;
	p1 =	sgt.s32 s31, $0x0  }
0x1f: {  	s31 =	smov.u32 s11;
	s0 =	simm.s32 @p1 $0x0;
	p1 =	sgt.s32 s12, $0x780  }
0x20: {  	[tilespmem:s26+$0x2040 ss:$0x81] =	vst.msk $0xffff, v4;
	s4 =	ssub.s32 s29, s4;
	s0 =	smul.u32 s13, s0;
	s30 =	simm.s32 @!p1 $0x780  }
0x21: {  	[tilespmem:s26+$0x2850 ss:$0x81] =	vst.msk $0xffff, v3;
	s13 =	sand.u32 s10, s12;
	p1 =	sgt.s32 s11, $0xC0;
	s10 =	sshra.s32 s11, $0x1F  }
0x22: {  	[tilespmem:s26+$0x3060 ss:$0x81] =	vst.msk $0xffff, v2;
	s13 =	ssub.s32 s30, s13;
	s31 =	simm.s32 @!p1 $0xC0;
	s10 =	sand.u32 s10, s11  }
0x23: {  	[tilespmem:s26+$0x0 ss:$0x81] =	vst.msk $0xffff, v1;
	s4 =	sshll.u32 s4, $0x8;
	s30 =	sadd.s32 $0xFFFFF880, s13;
	s10 =	ssub.s32 s31, s10  }
0x24: {  	[tilespmem:s27+$0x3870 ss:$0x81] =	vst.msk $0xffff, v0;
	s13 =	ssub.s32 $0x800, s13;
	p1 =	sgt.s32 s30, $0x7F;
	s30 =	sshll.u32 s11, $0x7  }
0x25: {  	[tilespmem:s27+$0x810 ss:$0x81] =	vst.msk $0xffff, v5;
	s31 =	sadd.s32 $0xFFFFFF40, s10;
	s10 =	ssub.s32 $0x140, s10;
	s13 =	simm.s32 @p1 $0x0  }
0x26: {  	[tilespmem:s27+$0x1020 ss:$0x81] =	vst.msk $0xffff, v58;
	s26 =	sand.u32 $0x380, s30;
	p1 =	sgt.s32 s31, $0x7F;
	s0 =	smul.u32 s13, s0  }
0x27: {  	[tilespmem:s27+$0x1830 ss:$0x81] =	vst.msk $0xffff, v59;
	s30 =	smul.u32 $0x14000, s3;
	s31 =	rddreg [dreg:$0x1];
	s10 =	simm.s32 @p1 $0x0  }
0x28: {  	[tilespmem:s27+$0x2040 ss:$0x81] =	vst.msk $0xffff, v60;
	s28 =	sor.u32 s26, s28;
	s0 =	smul.u32 s10, s0;
	s10 =	sadd.s32 s31, s25  }
0x29: {  	[tilespmem:s27+$0x2850 ss:$0x81] =	vst.msk $0xffff, v61;
	s25 =	sshrl.u32 s28, $0x3;
	s28 =	sand.u32 $0x7, s12;
	s10 =	sadd.s32 s30, s10  }
0x2a: {  	[tilespmem:s27+$0x3060 ss:$0x81] =	vst.msk $0xffff, v62;
	s31 =	simm.s32 $0x4000;
	s29 =	sshll.u32 s28, $0x12;
	s10 =	sadd.s32 s25, s10  }
0x2b: {  	[tilespmem:s27+$0x0 ss:$0x81] =	vst.msk $0xffff, v63;
	s0 =	sand.u32 $0x3FFFFFFF, s0;
	s30 =	sor.u32 $0x400, s29;
	s4 =	sadd.s32 s4, s10  }
0x2c: {  	[hbm4b:s4+s30] =	stream.strided.scatter [tilespmem:s24], [sflag:$0x2], s0, s31, s30, $0x20;
	[tilespmem:$0x10100] =	vst v63  }
.LBB1_5:
0x2d: {  	p1 =	slt.u32 s19, $0x2  }
0x2e: {  	s4 =	smov.u32 s23;
	s13 =	smov.u32 s21;
	s24 =	smov.u32 s16  }
0x2f: {  	s25 =	smov.u32 s17;
	p0 =	por !p0, !p0;
	p2 =	sgt.s32 @!p1 s23, $0x1  }
0x30: {  	s0 =	sshra.s32 @!p1 s23, $0x1F;
	s10 =	sshra.s32 @!p1 s22, $0x1F;
	p4 =	sgt.s32 @!p1 s20, $0x780  }
0x31: {  	p2 =	por !p2, p1;
	s0 =	sand.u32 @!p1 s0, s23;
	s10 =	sand.u32 @!p1 s10, s22  }
0x32: {  	s4 =	simm.s32 @p2 $0x1;
	s0 =	sxor.u32 @!p1 $0xFFFFFFFF, s0;
	p2 =	sgt.s32 @!p1 s22, $0x7  }
0x33: {  	s0 =	sadd.s32 @!p1 s0, s4;
	p2 =	por !p2, p1;
	s4 =	smov.u32 s22  }
0x34: {  	s23 =	smov.u32 s14;
	p3 =	sgt.s32 @!p1 s0, $0x0;
	s4 =	simm.s32 @p2 $0x7  }
0x35: {  	s0 =	ssub.s32 @!p1 $0x1, s0;
	p2 =	por !p3, p1;
	s4 =	ssub.s32 @!p1 s4, s10  }
0x36: {  	s14 =	smov.u32 s18;
	s0 =	simm.s32 @!p2 $0x0;
	s10 =	sadd.s32 @!p1 $0xFFFFFFF9, s4  }
0x37: {  	p2 =	sgt.s32 @!p1 s21, $0xC0;
	p3 =	sgt.s32 @!p1 s10, $0x0;
	s10 =	sshra.s32 @!p1 s21, $0x1F  }
0x38: {  	s4 =	ssub.s32 @!p1 $0x8, s4;
	p2 =	por !p2, p1;
	s10 =	sand.u32 @!p1 s10, s21  }
0x39: {  	s21 =	sshra.s32 @!p1 s20, $0x1F;
	s13 =	simm.s32 @p2 $0xC0;
	p2 =	por !p4, p1  }
0x3a: {  	p3 =	por !p3, p1;
	s21 =	sand.u32 @!p1 s21, s20;
	s20 =	simm.s32 @p2 $0x780  }
0x3b: {  	s4 =	simm.s32 @!p3 $0x0;
	s10 =	ssub.s32 @!p1 s13, s10;
	s13 =	ssub.s32 @!p1 s20, s21  }
0x3c: {  	s0 =	smul.u32 @!p1 s0, s4;
	s4 =	sadd.s32 @!p1 $0xFFFFFF40, s10;
	s20 =	sadd.s32 @!p1 $0xFFFFF880, s13  }
0x3d: {  	p2 =	sgt.s32 @!p1 s4, $0x7F;
	s4 =	ssub.s32 @!p1 $0x140, s10;
	p3 =	sgt.s32 @!p1 s20, $0x7F  }
0x3e: {  	s10 =	ssub.s32 @!p1 $0x800, s13;
	s13 =	sadd.s32 $0x80, s15;
	p3 =	por !p3, p1  }
0x3f: {  	s20 =	sadd.s32 $0x100, s16;
	s10 =	simm.s32 @!p3 $0x0;
	p3 =	sgt.s32 s13, $0x13F  }
0x40: {  	p2 =	por !p2, p1;
	s0 =	smul.u32 @!p1 s10, s0;
	s24 =	smov.u32 @p3 s20  }
0x41: {  	s4 =	simm.s32 @!p2 $0x0;
	s10 =	sadd.s32 $0x8, s17;
	p2 =	sgt.s32 s24, $0x7FF  }
0x42: {  	s13 =	simm.s32 @p3 $0x0;
	s0 =	smul.u32 @!p1 s4, s0;
	s25 =	smov.u32 @p2 s10  }
0x43: {  	s4 =	sadd.s32 $0x2, s18;
	s10 =	smov.u32 s18;
	p3 =	sgt.s32 s25, $0x7  }
0x44: {  	s22 =	smov.u32 s3;
	s3 =	smov.u32 s17;
	s10 =	smov.u32 @p3 s4  }
0x45: {  	s21 =	smov.u32 s11;
	s24 =	smov.u32 @p2 s2;
	p2 =	sgt.s32 s10, $0x1  }
0x46: {  	s11 =	smov.u32 s15;
	s10 =	smov.u32 @p2 s1;
	p2 =	sne.s32 s19, s9  }
.Ltmp1:
0x47: {  	s20 =	smov.u32 s12;
	s12 =	smov.u32 s16;
	(pc) =	sbr.rel @!p2 .LBB1_6-.Ltmp1, $4  }
0x48: {  	s15 =	smov.u32 s13;
	s0 =	sand.u32 @!p1 $0x3FFFFFFF, s0;
	s4 =	simm.s32 @!p1 $0x2  }
0x49: {  	s16 =	smov.u32 s24;
	s25 =	smov.u32 @p3 s8;
	_ =	swait.ge @!p1 [sflag:s4], s0  }
0x4a: {  	s0 =	ssub.s32 @!p1 $0x0, s0;
	s17 =	smov.u32 s25;
	[sflag:s4] =	ssyncset.done @!p1 $0x0  }
0x4b: {  	s19 =	sadd.s32 $0x1, s19;
	[sflag:s4] =	ssyncadd.s32 @!p1 s0;
	s18 =	smov.u32 s10  }
.LBB1_1:
0x4c: {  	p1 =	sge.u32 s19, s6  }
0x4d: {  	s24 =	sshrl.u32 @!p1 s16, $0x3  }
0x4e: {  	s25 =	sshll.u32 @!p1 s15, $0x3;
	s24 =	smul.u32 @!p1 $0xC00, s24  }
0x4f: {  	s26 =	sshll.u32 @!p1 s16, $0x7;
	s25 =	sand.u32 @!p1 $0xFFFFFC00, s25  }
0x50: {  	s24 =	sadd.s32 @!p1 s24, s25;
	s25 =	sand.u32 @!p1 $0x380, s26  }
0x51: {  	s26 =	sand.u32 @!p1 $0x7F, s15;
	s24 =	sor.u32 @!p1 s25, s24  }
0x52: {  	s25 =	sor.u32 @!p1 s26, s24  }
0x53: {  	s26 =	smulhi.u32 @!p1 $0xAAAAAAAB, s25  }
0x54: {  	s24 =	smulhi.u32 @!p1 $0xAAAAAAAB, s24  }
0x55: {  	s31 =	sadd.s32 $0xFFFFFFFF, s19;
	s28 =	smul.u32 @!p1 $0xC0000, s18;
	s26 =	sshrl.u32 @!p1 s26, $0x8  }
0x56: {  	s27 =	sxor.u32 @!p1 $0xFFFFFFFF, s19;
	s24 =	sshrl.u32 @!p1 s24, $0x8;
	s26 =	smul.u32 @!p1 $0x180, s26  }
0x57: {  	s29 =	smul.u32 @!p1 $0x18000, s17;
	s27 =	sshll.u32 @!p1 s27, $0xE;
	s24 =	sand.u32 @!p1 $0x7FF, s24  }
0x58: {  	s24 =	smul.u32 @!p1 $0x30, s24;
	s25 =	ssub.s32 @!p1 s25, s26;
	s26 =	sadd.s32 @!p1 s7, s28  }
0x59: {  	s27 =	sand.u32 @!p1 $0x4000, s27;
	s26 =	sadd.s32 @!p1 s29, s26;
	s28 =	sand.u32 @!p1 $0x7, s25  }
0x5a: {  	s25 =	sshrl.u32 @!p1 s25, $0x3;
	s24 =	sadd.s32 @!p1 s24, s26;
	s26 =	sshll.u32 @!p1 s28, $0x12  }
0x5b: {  	s24 =	sadd.s32 @!p1 s25, s24;
	s25 =	sor.u32 @!p1 $0x400, s26;
	s26 =	simm.s32 @!p1 $0xC00  }
0x5c: {  	[tilespmem:s27], [sflag:$0x1] =	stream.strided.gather @!p1 [hbm4b:s24+s25], $0x4000, s26, s25, $0x38;
	[tilespmem:$0x10100] =	vst v63  }
0x5d: {  	p1 =	sge.u32 s31, s6  }
.Ltmp2:
0x5e: {  	_ = 	snop;
	(pc) =	sbr.rel @p1 .LBB1_5-.Ltmp2, $1  }
0x5f: {  	_ =	sdelay $0x3  }
0x60: {  	s24 =	simm.s32 $0x1  }
0x61: {  	_ =	swait.ge [sflag:s5], $0x4000;
	s24 =	simm.s32 @!p0 $0x0  }
0x62: {  	[sflag:s5] =	ssyncset.done $0x0;
	s25 =	sshll.u32 s24, $0xE  }
0x63: {  	[sflag:s5] =	ssyncadd.s32 $0xFFFFC000;
	s25 =	sor.u32 $0x40, s25  }
0x64: {  	s24 =	smul.u32 $0x10200, s24;
	v0 =	vld [tilespmem:s25+$0x30]  }
0x65: {  	v1 =	vld [tilespmem:s25+$0xFFFFFFD0]  }
0x66: {  	s24 =	sshrl.u32 s24, $0x2;
	v5 =	vld [tilespmem:s25+$0xFFFFFFE0]  }
0x67: {  	v6 =	vld [tilespmem:s25+$0xFFFFFFF0];
	s27 =	sor.u32 $0x8000, s24  }
0x68: {  	s31 =	sand.u32 $0x1, s19;
	v4 =	vld [tilespmem:s25+$0x0];
	s26 =	sadd.s32 $0x0, s27  }
0x69: {  	v3 =	vld [tilespmem:s25+$0x10];
	s24 =	smul.u32 $0x10200, s31;
	[tilespmem:s26+$0x3870 ss:$0x81] =	vst.msk $0xffff, v0  }
0x6a: {  	v2 =	vld [tilespmem:s25+$0x20];
	[tilespmem:s26+$0x810 ss:$0x81] =	vst.msk $0xffff, v1  }
0x6b: {  	s24 =	sshrl.u32 s24, $0x2;
	v1 =	vld [tilespmem:s25+$0xFFFFFFC0];
	[tilespmem:s26+$0x1020 ss:$0x81] =	vst.msk $0xffff, v5;
	s25 =	sadd.s32 $0x80, s25  }
0x6c: {  	s28 =	simm.s32 $0x4;
	s29 =	simm.s32 $0x8;
	s24 =	sor.u32 $0x8000, s24;
	[tilespmem:s26+$0x1830 ss:$0x81] =	vst.msk $0xffff, v6;
	v0 =	vld [tilespmem:s25+$0x30]  }
.LBB1_3:
0x6d: {  	p1 =	sne.s32 s29, $0x1FC;
	v5 =	vld [tilespmem:s25+$0xFFFFFFD0];
	[tilespmem:s26+$0x2040 ss:$0x81] =	vst.msk $0xffff, v4  }
0x6e: {  	v6 =	vld [tilespmem:s25+$0xFFFFFFE0];
	[tilespmem:s26+$0x2850 ss:$0x81] =	vst.msk $0xffff, v3  }
0x6f: {  	s30 =	sshra.s32 s28, $0x2;
	s28 =	smov.u32 s29;
	v7 =	vld [tilespmem:s25+$0xFFFFFFF0];
	[tilespmem:s26+$0x3060 ss:$0x81] =	vst.msk $0xffff, v2  }
.Ltmp3:
0x70: {  	v4 =	vld [tilespmem:s25+$0x0];
	[tilespmem:s26+$0x0 ss:$0x81] =	vst.msk $0xffff, v1;
	s26 =	sadd.s32 s30, s27;
	(pc) =	sbr.rel @p1 .LBB1_3-.Ltmp3, $4  }
0x71: {  	v3 =	vld [tilespmem:s25+$0x10];
	[tilespmem:s26+$0x3870 ss:$0x81] =	vst.msk $0xffff, v0  }
0x72: {  	[tilespmem:s26+$0x810 ss:$0x81] =	vst.msk $0xffff, v5;
	v2 =	vld [tilespmem:s25+$0x20]  }
0x73: {  	v1 =	vld [tilespmem:s25+$0xFFFFFFC0];
	[tilespmem:s26+$0x1020 ss:$0x81] =	vst.msk $0xffff, v6;
	s25 =	sadd.s32 $0x80, s25  }
0x74: {  	s29 =	sadd.s32 $0x4, s29;
	v0 =	vld [tilespmem:s25+$0x30];
	[tilespmem:s26+$0x1830 ss:$0x81] =	vst.msk $0xffff, v7  }
.Ltmp4:
0x75: {  	_ = 	snop;
	(pc) =	sbr.rel .LBB1_4-.Ltmp4, $1  }
0x76: {  	_ =	sdelay $0x3  }
.LBB1_6:
0x77: {  	_ =	sfence.sel $0x180000  }
0x78: {  	s0 =	simm.s32 $0x1;
	[bflag:$0x0] =	sbarrier.arrive $0xFFFF  }
0x79: {  	s30 =	simm.s32 $0x2;
	[sflag:s0] =	ssyncpa.u1 $0x1  }
0x7a: {  	[sflag:s30] =	ssyncpa.u1 $0x1  }
0x7b: {  	_ =	strace $0x9000004A  }
0x7c: {  	s31 =	stileid.u32;
	[bflag:$0x2] =	sbarrier.arrive $0xFFFF  }
0x7d: {  	p0 =	sne.s32 s31, $0x0;
	s0 =	rddreg [dreg:$0x2]  }
0x7e: {  	s0 =	sadd.s32 @!p0 $0x100000, s0  }
0x7f: {  	[sflag:s0] =	ssyncadd.tile.s32 @!p0 $0x1;
	_ =	shalt  }
.Lfunc_end1:
_tile_overlayer_lowered:
.L_overlay_start_2:
0x80: {  	(tag) =	ssettag $0x2  }
0x81: {  	s0 =	rddreg [dreg:$0x0];
	s2 =	stileid.u32  }
0x82: {  	s1 =	rddreg [dreg:$0x1];
	p0 =	sne.s32 s2, $0x0  }
0x83: {  	s3 =	rddreg [dreg:$0x2];
	[bflag:$0x3] =	sbarrier.arrive $0xFFFF;
	s2 =	simm.s32 @!p0 $0x1C01  }
0x84: {  	[timem:s3], [sflag:s2] =	dma.local @!p0 [hbm:s0], s1  }
0x85: {  	s0 =	simm.s32 @!p0 $0x1  }
0x86: {  	_ =	swait.ge @!p0 [sflag:s0], s1  }
0x87: {  	s1 =	ssub.s32 @!p0 $0x0, s1;
	[sflag:s0] =	ssyncset.done @!p0 $0x0  }
0x88: {  	[sflag:s0] =	ssyncadd.s32 @!p0 s1  }
0x89: {  	[bflag:$0x3] =	sbarrier.arrive $0xFFFF  }
0x8a: {  	_ =	shalt  }

</sc_bundles>
